<compile_context>
chip_gen: v7x
topology: tpu7x:2x2x1
jax: 0.10.2.dev20260603
libtpu: 0.0.44.dev20260713+nightly
codegen_flags: <defaults>
</compile_context>

<pallas_src>
import jax
import jax.numpy as jnp
from jax import lax
from jax.experimental import pallas as pl
from jax.experimental.pallas import tpu as pltpu
from jax.experimental.pallas import tpu_sc as plsc

N_NODES = 10000
N_EDGES = 320000
D = 128
BN_EPS = 1e-5

NC = 2
NS = 16
NW = NC * NS
CHUNK = 80
CPW = N_EDGES // (NW * CHUNK)
ROWS_PER_TILE = 640
NPAD = NS * ROWS_PER_TILE


def _sc_aggregate(with_deg):
    mesh = plsc.VectorSubcoreMesh(
        core_axis_name="c", subcore_axis_name="s",
        num_cores=NC, num_subcores=NS)

    out_type = [jax.ShapeDtypeStruct((NC, NPAD, D), jnp.float32)]
    scratch = [
        pltpu.VMEM_SHARED((NPAD, D), jnp.float32),
        pltpu.VMEM((CPW * CHUNK,), jnp.int32),
        pltpu.VMEM((CHUNK, D), jnp.float32),
        pltpu.VMEM((CHUNK, D), jnp.float32),
        pltpu.VMEM((CHUNK, D), jnp.float32),
        pltpu.VMEM((CHUNK,), jnp.int32),
        pltpu.VMEM((CHUNK,), jnp.int32),
        pltpu.VMEM((CHUNK,), jnp.int32),
        pltpu.SemaphoreType.DMA,
        pltpu.SemaphoreType.DMA,
        pltpu.SemaphoreType.DMA,
        pltpu.SemaphoreType.DMA,
        pltpu.SemaphoreType.DMA,
        pltpu.SemaphoreType.DMA,
        pltpu.SemaphoreType.DMA,
        pltpu.SemaphoreType.DMA,
        pltpu.SemaphoreType.DMA,
    ]
    if with_deg:
        out_type.append(jax.ShapeDtypeStruct((NC, NPAD), jnp.float32))
        scratch += [
            pltpu.VMEM_SHARED((NPAD,), jnp.float32),
            pltpu.VMEM((CHUNK,), jnp.float32),
            pltpu.VMEM((ROWS_PER_TILE,), jnp.float32),
            pltpu.SemaphoreType.DMA,
            pltpu.SemaphoreType.DMA,
            pltpu.SemaphoreType.DMA,
        ]

    def body(xw_hbm, ei_hbm, parts_hbm, *rest):
        if with_deg:
            (degp_hbm, acc, srcv, r0, r1, r2, d0, d1, d2,
             g0, g1, g2, s0, s1, s2, i0, i1, i2,
             dacc, ones, dz, e0, e1, e2) = rest
            semd = (e0, e1, e2)
        else:
            (acc, srcv, r0, r1, r2, d0, d1, d2,
             g0, g1, g2, s0, s1, s2, i0, i1, i2) = rest
        rows = (r0, r1, r2)
        dsti = (d0, d1, d2)
        semg = (g0, g1, g2)
        sems = (s0, s1, s2)
        semi = (i0, i1, i2)

        c = lax.axis_index("c")
        s = lax.axis_index("s")
        wid = s * NC + c
        row0 = s * ROWS_PER_TILE
        ebase = wid * CPW * CHUNK

        pltpu.async_copy(ei_hbm.at[0, pl.ds(ebase, CPW * CHUNK)], srcv,
                         semi[2])

        z16 = jnp.zeros((16,), jnp.float32)

        def zrow(i, carry):
            for j in range(D // 16):
                r0[i, pl.ds(j * 16, 16)] = z16
            return carry
        lax.fori_loop(0, CHUNK, zrow, 0)
        nz = ROWS_PER_TILE // CHUNK
        for k in range(nz):
            pltpu.async_copy(r0, acc.at[pl.ds(row0 + k * CHUNK, CHUNK)],
                             sems[k % 3])

        if with_deg:
            o16 = jnp.ones((16,), jnp.float32)

            def zdeg(i, carry):
                dz[pl.ds(i * 16, 16)] = z16
                return carry
            lax.fori_loop(0, ROWS_PER_TILE // 16, zdeg, 0)
            pltpu.async_copy(dz, dacc.at[pl.ds(row0, ROWS_PER_TILE)],
                             semd[0])

            def fones(i, carry):
                ones[pl.ds(i * 16, 16)] = o16
                return carry
            lax.fori_loop(0, CHUNK // 16, fones, 0)
            pltpu.make_async_copy(dz, dacc.at[pl.ds(row0, ROWS_PER_TILE)],
                                  semd[0]).wait()

        for k in range(nz):
            pltpu.make_async_copy(r0, acc.at[pl.ds(row0 + k * CHUNK, CHUNK)],
                                  sems[k % 3]).wait()
        pltpu.make_async_copy(ei_hbm.at[0, pl.ds(ebase, CPW * CHUNK)], srcv,
                              semi[2]).wait()

        plsc.subcore_barrier()

        def fetch(j, b):
            pltpu.async_copy(ei_hbm.at[1, pl.ds(ebase + j * CHUNK, CHUNK)],
                             dsti[b], semi[b])
            pltpu.async_copy(xw_hbm.at[srcv.at[pl.ds(j * CHUNK, CHUNK)]],
                             rows[b], semg[b])

        def wait_fetch(j, b):
            pltpu.make_async_copy(
                ei_hbm.at[1, pl.ds(ebase + j * CHUNK, CHUNK)],
                dsti[b], semi[b]).wait()
            pltpu.make_async_copy(xw_hbm.at[srcv.at[pl.ds(j * CHUNK, CHUNK)]],
                                  rows[b], semg[b]).wait()

        def scatter(b):
            pltpu.async_copy(rows[b], acc.at[dsti[b]], sems[b], add=True)
            if with_deg:
                pltpu.async_copy(ones, dacc.at[dsti[b]], semd[b], add=True)

        def wait_scatter(b):
            pltpu.make_async_copy(rows[b], acc.at[dsti[b]], sems[b]).wait()
            if with_deg:
                pltpu.make_async_copy(ones, dacc.at[dsti[b]],
                                      semd[b]).wait()

        fetch(0, 0)
        fetch(1, 1)

        def step(i, carry):
            j = 3 * i
            wait_fetch(j, 0)
            scatter(0)

            @pl.when(i > 0)
            def _():
                wait_scatter(2)
            fetch(j + 2, 2)

            wait_fetch(j + 1, 1)
            scatter(1)
            wait_scatter(0)
            fetch(j + 3, 0)

            wait_fetch(j + 2, 2)
            scatter(2)
            wait_scatter(1)
            fetch(j + 4, 1)
            return carry
        lax.fori_loop(0, (CPW - 2) // 3, step, 0)

        wait_fetch(CPW - 2, 0)
        scatter(0)
        wait_fetch(CPW - 1, 1)
        scatter(1)
        wait_scatter(2)
        wait_scatter(0)
        wait_scatter(1)

        plsc.subcore_barrier()

        pltpu.async_copy(acc.at[pl.ds(row0, ROWS_PER_TILE)],
                         parts_hbm.at[c, pl.ds(row0, ROWS_PER_TILE)],
                         sems[0])
        if with_deg:
            pltpu.async_copy(dacc.at[pl.ds(row0, ROWS_PER_TILE)],
                             degp_hbm.at[c, pl.ds(row0, ROWS_PER_TILE)],
                             semd[0])
            pltpu.make_async_copy(
                dacc.at[pl.ds(row0, ROWS_PER_TILE)],
                degp_hbm.at[c, pl.ds(row0, ROWS_PER_TILE)], semd[0]).wait()
        pltpu.make_async_copy(
            acc.at[pl.ds(row0, ROWS_PER_TILE)],
            parts_hbm.at[c, pl.ds(row0, ROWS_PER_TILE)], sems[0]).wait()

    return pl.kernel(
        body, out_type=out_type, mesh=mesh, scratch_types=scratch,
        compiler_params=pltpu.CompilerParams(use_tc_tiling_on_sc=False))


def _tc_selfproj(x, w_self, b):
    def body(x_ref, ws_ref, b_ref, xs_ref):
        xs_ref[...] = jnp.dot(
            x_ref[...], ws_ref[...],
            preferred_element_type=jnp.float32) + b_ref[...]

    nblk = 10
    rb = N_NODES // nblk
    return pl.pallas_call(
        body,
        grid=(nblk,),
        in_specs=[
            pl.BlockSpec((rb, D), lambda i: (i, 0)),
            pl.BlockSpec((D, D), lambda i: (0, 0)),
            pl.BlockSpec((1, D), lambda i: (0, 0)),
        ],
        out_specs=pl.BlockSpec((rb, D), lambda i: (i, 0)),
        out_shape=jax.ShapeDtypeStruct((N_NODES, D), jnp.float32),
    )(x, w_self, b.reshape(1, D))


def _tc_combine(xs, parts, degp, w_neigh, gamma, beta, relu):
    def body(xs_ref, p_ref, dg_ref, wn_ref, g_ref, bt_ref, out_ref):
        p = p_ref[0, :N_NODES, :] + p_ref[1, :N_NODES, :]
        deg = dg_ref[0, :N_NODES] + dg_ref[1, :N_NODES]
        hn = p / jnp.maximum(deg, 1.0)[:, None]
        h = xs_ref[...] + jnp.dot(hn, wn_ref[...],
                                  preferred_element_type=jnp.float32)
        mu = jnp.mean(h, axis=0, keepdims=True)
        var = jnp.mean((h - mu) ** 2, axis=0, keepdims=True)
        out = g_ref[...] * (h - mu) * lax.rsqrt(var + BN_EPS) + bt_ref[...]
        if relu:
            out = jnp.maximum(out, 0.0)
        out_ref[...] = out

    return pl.pallas_call(
        body,
        out_shape=jax.ShapeDtypeStruct((N_NODES, D), jnp.float32),
    )(xs, parts, degp, w_neigh, gamma.reshape(1, D), beta.reshape(1, D))


def kernel(features, edge_index, W_self1, W_neigh1, b1, gamma1, beta1,
           W_self2, W_neigh2, b2, gamma2, beta2):
    ei = edge_index.astype(jnp.int32)

    parts1, degp = _sc_aggregate(with_deg=True)(features, ei)
    xs1 = _tc_selfproj(features, W_self1, b1)
    h1 = _tc_combine(xs1, parts1, degp, W_neigh1, gamma1, beta1, relu=True)
    (parts2,) = _sc_aggregate(with_deg=False)(h1, ei)
    xs2 = _tc_selfproj(h1, W_self2, b2)
    return _tc_combine(xs2, parts2, degp, W_neigh2, gamma2, beta2,
                       relu=False)

# --- scband reference (transcript-rebuilt; emitter-appended) ---
"""Pipeline reference for scband-graph-sage-2388001816783 (READ-ONLY COPY).

The authoritative reference and input builder live on the scoring server;
editing this copy changes nothing except your own understanding.
"""

import jax, jax.numpy as jnp
import numpy as np

N_NODES = 10000
N_EDGES = 320000
D_IN = 128
D_HID = 128
D_OUT = 128
BN_EPS = 1e-5


def _xavier_uniform(key, fan_in, fan_out):
    limit = float(np.sqrt(6.0 / (fan_in + fan_out)))
    return jax.random.uniform(key, (fan_in, fan_out), minval=-limit, maxval=limit, dtype=jnp.float32)


def setup_inputs(seed: int = 0) -> dict:
    key = jax.random.key(seed)
    ks = jax.random.split(key, 8)
    features = jax.random.normal(ks[0], (N_NODES, D_IN), dtype=jnp.float32)
    edge_index = jax.random.randint(ks[1], (2, N_EDGES), 0, N_NODES, dtype=jnp.int64)
    # SAGEConv layer 1 params (DGL 'mean': fc_self has bias, fc_neigh bias=False)
    W_self1 = _xavier_uniform(ks[2], D_IN, D_HID)
    W_neigh1 = _xavier_uniform(ks[3], D_IN, D_HID)
    b1 = jnp.zeros((D_HID,), dtype=jnp.float32)
    # BatchNorm1 params
    gamma1 = jnp.ones((D_HID,), dtype=jnp.float32)
    beta1 = jnp.zeros((D_HID,), dtype=jnp.float32)
    # SAGEConv layer 2 params
    W_self2 = _xavier_uniform(ks[4], D_HID, D_OUT)
    W_neigh2 = _xavier_uniform(ks[5], D_HID, D_OUT)
    b2 = jnp.zeros((D_OUT,), dtype=jnp.float32)
    # BatchNorm2 params
    gamma2 = jnp.ones((D_OUT,), dtype=jnp.float32)
    beta2 = jnp.zeros((D_OUT,), dtype=jnp.float32)
    return {
        "features": features,
        "edge_index": edge_index,
        "W_self1": W_self1, "W_neigh1": W_neigh1, "b1": b1,
        "gamma1": gamma1, "beta1": beta1,
        "W_self2": W_self2, "W_neigh2": W_neigh2, "b2": b2,
        "gamma2": gamma2, "beta2": beta2,
    }


def _sage_conv_mean(x, edge_index, W_self, W_neigh, b):
    src = edge_index[0]
    dst = edge_index[1]
    # gather source node features along edges, then mean-aggregate to dst
    msg = jnp.take(x, src, axis=0)
    agg = jax.ops.segment_sum(msg, dst, num_segments=N_NODES)
    deg = jax.ops.segment_sum(jnp.ones((edge_index.shape[1],), dtype=x.dtype), dst, num_segments=N_NODES)
    h_neigh = agg / jnp.maximum(deg, 1.0)[:, None]
    # zero-in-degree nodes get zero neighbor contribution (deg clamp handles /0)
    return x @ W_self + b + h_neigh @ W_neigh


def _batch_norm(h, gamma, beta):
    mu = jnp.mean(h, axis=0)
    var = jnp.mean((h - mu) ** 2, axis=0)  # biased variance, as in BN training forward
    return gamma * (h - mu) / jnp.sqrt(var + BN_EPS) + beta


def reference(features, edge_index, W_self1, W_neigh1, b1, gamma1, beta1,
              W_self2, W_neigh2, b2, gamma2, beta2):
    h = _sage_conv_mean(features, edge_index, W_self1, W_neigh1, b1)
    h = _batch_norm(h, gamma1, beta1)
    h = jax.nn.relu(h)
    h = _sage_conv_mean(h, edge_index, W_self2, W_neigh2, b2)
    h = _batch_norm(h, gamma2, beta2)
    return h

if __name__ == "__main__":
    import jax
    _d = setup_inputs()
    print(jax.jit(kernel)(*tuple(_d.values())))

</pallas_src>

<mosaic_0001>
#map = affine_map<(d0, d1) -> (0, 0)>
#map1 = affine_map<(d0, d1) -> (0, 0, 0)>
module attributes {stable_mosaic.version = 14 : i64} {
  func.func @body(%arg0: i32, %arg1: i32, %arg2: memref<10000x128xf32, #tpu.memory_space<hbm>>, %arg3: memref<2x320000xi32, #tpu.memory_space<hbm>>, %arg4: memref<2x10240x128xf32, #tpu.memory_space<hbm>>, %arg5: memref<2x10240xf32, #tpu.memory_space<hbm>>, %arg6: memref<10240x128xf32, #tpu.memory_space<vmem_shared>>, %arg7: memref<10000xi32, #tpu.memory_space<vmem>>, %arg8: memref<80x128xf32, #tpu.memory_space<vmem>>, %arg9: memref<80x128xf32, #tpu.memory_space<vmem>>, %arg10: memref<80x128xf32, #tpu.memory_space<vmem>>, %arg11: memref<80xi32, #tpu.memory_space<vmem>>, %arg12: memref<80xi32, #tpu.memory_space<vmem>>, %arg13: memref<80xi32, #tpu.memory_space<vmem>>, %arg14: memref<!tpu.dma_semaphore, #tpu.memory_space<semaphore_mem>>, %arg15: memref<!tpu.dma_semaphore, #tpu.memory_space<semaphore_mem>>, %arg16: memref<!tpu.dma_semaphore, #tpu.memory_space<semaphore_mem>>, %arg17: memref<!tpu.dma_semaphore, #tpu.memory_space<semaphore_mem>>, %arg18: memref<!tpu.dma_semaphore, #tpu.memory_space<semaphore_mem>>, %arg19: memref<!tpu.dma_semaphore, #tpu.memory_space<semaphore_mem>>, %arg20: memref<!tpu.dma_semaphore, #tpu.memory_space<semaphore_mem>>, %arg21: memref<!tpu.dma_semaphore, #tpu.memory_space<semaphore_mem>>, %arg22: memref<!tpu.dma_semaphore, #tpu.memory_space<semaphore_mem>>, %arg23: memref<10240xf32, #tpu.memory_space<vmem_shared>>, %arg24: memref<80xf32, #tpu.memory_space<vmem>>, %arg25: memref<640xf32, #tpu.memory_space<vmem>>, %arg26: memref<!tpu.dma_semaphore, #tpu.memory_space<semaphore_mem>>, %arg27: memref<!tpu.dma_semaphore, #tpu.memory_space<semaphore_mem>>, %arg28: memref<!tpu.dma_semaphore, #tpu.memory_space<semaphore_mem>>) attributes {dimension_semantics = [#tpu.dimension_semantics<core_parallel>, #tpu.dimension_semantics<subcore_parallel>], iteration_bounds = array<i64: 2, 16>, scalar_prefetch = 0 : i64, scratch_operands = 23 : i64, tpu.core_type = #tpu.core_type<sc_vector_subcore>, window_params = [{transform_indices = #map}, {transform_indices = #map}, {transform_indices = #map1}, {transform_indices = #map}]} {
    %mul3A = arith.constant 2 : i32
    %mul3A_0 = arith.muli %arg1, %mul3A : i32
    %add3A = arith.addi %mul3A_0, %arg0 : i32
    %mul3A_1 = arith.constant 640 : i32
    %mul3A_2 = arith.muli %arg1, %mul3A_1 : i32
    %mul3A_3 = arith.constant 125 : i32
    %mul3A_4 = arith.muli %add3A, %mul3A_3 : i32
    %mul3A_5 = arith.constant 80 : i32
    %mul3A_6 = arith.muli %mul3A_4, %mul3A_5 : i32
    %dma_start3A = arith.constant 0 : i32
    %dma_start3A_7 = tpu.memref_slice %arg3[%dma_start3A, %mul3A_6] : memref<2x320000xi32, #tpu.memory_space<hbm>> -> memref<1x10000xi32, #tpu.memory_space<hbm>>
    %dma_start3A_8 = tpu.memref_squeeze %dma_start3A_7 : memref<1x10000xi32, #tpu.memory_space<hbm>> -> memref<10000xi32, #tpu.memory_space<hbm>>
    %dma_start3A_9 = tpu.memref_slice %arg3[%dma_start3A, %mul3A_6] : memref<2x320000xi32, #tpu.memory_space<hbm>> -> memref<1x10000xi32, #tpu.memory_space<hbm>>
    %dma_start3A_10 = tpu.memref_squeeze %dma_start3A_9 : memref<1x10000xi32, #tpu.memory_space<hbm>> -> memref<10000xi32, #tpu.memory_space<hbm>>
    tpu.enqueue_dma source(%dma_start3A_10 : memref<10000xi32, #tpu.memory_space<hbm>>) target(%arg7 : memref<10000xi32, #tpu.memory_space<vmem>>) target_semaphore(%arg22 : memref<!tpu.dma_semaphore, #tpu.memory_space<semaphore_mem>>)
    %broadcast_in_dim3A = arith.constant 0.000000e+00 : f32
    %broadcast_in_dim3A_11 = vector.broadcast %broadcast_in_dim3A : f32 to vector<16xf32>
    %scan3A = arith.constant 0 : i32
    %scan3A_12 = arith.constant 0 : i32
    %scan3A_13 = arith.constant 80 : i32
    %scan3A_14 = arith.addi %scan3A_12, %scan3A_13 : i32
    %scan3A_15 = arith.constant 1 : i32
    scf.for %scan3A_231 = %scan3A_12 to %scan3A_14 step %scan3A_15  : i32 {
      %swap3A = arith.index_cast %scan3A_231 : i32 to index
      %swap3A_232 = arith.constant 0 : index
      %swap3A_233 = tpu.vector_load %arg8[%swap3A, %swap3A_232] {strides = array<i32>} : memref<80x128xf32, #tpu.memory_space<vmem>>, vector<1x16xf32>,
      %swap3A_234 = vector.shape_cast %swap3A_233 : vector<1x16xf32> to vector<16xf32>
      %swap3A_235 = vector.shape_cast %broadcast_in_dim3A_11 : vector<16xf32> to vector<1x16xf32>
      tpu.vector_store %arg8[%swap3A, %swap3A_232], %swap3A_235 {strides = array<i32>} : memref<80x128xf32, #tpu.memory_space<vmem>>, vector<1x16xf32>,
      %swap3A_236 = arith.index_cast %scan3A_231 : i32 to index
      %swap3A_237 = arith.constant 16 : index
      %swap3A_238 = tpu.vector_load %arg8[%swap3A_236, %swap3A_237] {strides = array<i32>} : memref<80x128xf32, #tpu.memory_space<vmem>>, vector<1x16xf32>,
      %swap3A_239 = vector.shape_cast %swap3A_238 : vector<1x16xf32> to vector<16xf32>
      %swap3A_240 = vector.shape_cast %broadcast_in_dim3A_11 : vector<16xf32> to vector<1x16xf32>
      tpu.vector_store %arg8[%swap3A_236, %swap3A_237], %swap3A_240 {strides = array<i32>} : memref<80x128xf32, #tpu.memory_space<vmem>>, vector<1x16xf32>,
      %swap3A_241 = arith.index_cast %scan3A_231 : i32 to index
      %swap3A_242 = arith.constant 32 : index
      %swap3A_243 = tpu.vector_load %arg8[%swap3A_241, %swap3A_242] {strides = array<i32>} : memref<80x128xf32, #tpu.memory_space<vmem>>, vector<1x16xf32>,
      %swap3A_244 = vector.shape_cast %swap3A_243 : vector<1x16xf32> to vector<16xf32>
      %swap3A_245 = vector.shape_cast %broadcast_in_dim3A_11 : vector<16xf32> to vector<1x16xf32>
      tpu.vector_store %arg8[%swap3A_241, %swap3A_242], %swap3A_245 {strides = array<i32>} : memref<80x128xf32, #tpu.memory_space<vmem>>, vector<1x16xf32>,
      %swap3A_246 = arith.index_cast %scan3A_231 : i32 to index
      %swap3A_247 = arith.constant 48 : index
      %swap3A_248 = tpu.vector_load %arg8[%swap3A_246, %swap3A_247] {strides = array<i32>} : memref<80x128xf32, #tpu.memory_space<vmem>>, vector<1x16xf32>,
      %swap3A_249 = vector.shape_cast %swap3A_248 : vector<1x16xf32> to vector<16xf32>
      %swap3A_250 = vector.shape_cast %broadcast_in_dim3A_11 : vector<16xf32> to vector<1x16xf32>
      tpu.vector_store %arg8[%swap3A_246, %swap3A_247], %swap3A_250 {strides = array<i32>} : memref<80x128xf32, #tpu.memory_space<vmem>>, vector<1x16xf32>,
      %swap3A_251 = arith.index_cast %scan3A_231 : i32 to index
      %swap3A_252 = arith.constant 64 : index
      %swap3A_253 = tpu.vector_load %arg8[%swap3A_251, %swap3A_252] {strides = array<i32>} : memref<80x128xf32, #tpu.memory_space<vmem>>, vector<1x16xf32>,
      %swap3A_254 = vector.shape_cast %swap3A_253 : vector<1x16xf32> to vector<16xf32>
      %swap3A_255 = vector.shape_cast %broadcast_in_dim3A_11 : vector<16xf32> to vector<1x16xf32>
      tpu.vector_store %arg8[%swap3A_251, %swap3A_252], %swap3A_255 {strides = array<i32>} : memref<80x128xf32, #tpu.memory_space<vmem>>, vector<1x16xf32>,
      %swap3A_256 = arith.index_cast %scan3A_231 : i32 to index
      %swap3A_257 = arith.constant 80 : index
      %swap3A_258 = tpu.vector_load %arg8[%swap3A_256, %swap3A_257] {strides = array<i32>} : memref<80x128xf32, #tpu.memory_space<vmem>>, vector<1x16xf32>,
      %swap3A_259 = vector.shape_cast %swap3A_258 : vector<1x16xf32> to vector<16xf32>
      %swap3A_260 = vector.shape_cast %broadcast_in_dim3A_11 : vector<16xf32> to vector<1x16xf32>
      tpu.vector_store %arg8[%swap3A_256, %swap3A_257], %swap3A_260 {strides = array<i32>} : memref<80x128xf32, #tpu.memory_space<vmem>>, vector<1x16xf32>,
      %swap3A_261 = arith.index_cast %scan3A_231 : i32 to index
      %swap3A_262 = arith.constant 96 : index
      %swap3A_263 = tpu.vector_load %arg8[%swap3A_261, %swap3A_262] {strides = array<i32>} : memref<80x128xf32, #tpu.memory_space<vmem>>, vector<1x16xf32>,
      %swap3A_264 = vector.shape_cast %swap3A_263 : vector<1x16xf32> to vector<16xf32>
      %swap3A_265 = vector.shape_cast %broadcast_in_dim3A_11 : vector<16xf32> to vector<1x16xf32>
      tpu.vector_store %arg8[%swap3A_261, %swap3A_262], %swap3A_265 {strides = array<i32>} : memref<80x128xf32, #tpu.memory_space<vmem>>, vector<1x16xf32>,
      %swap3A_266 = arith.index_cast %scan3A_231 : i32 to index
      %swap3A_267 = arith.constant 112 : index
      %swap3A_268 = tpu.vector_load %arg8[%swap3A_266, %swap3A_267] {strides = array<i32>} : memref<80x128xf32, #tpu.memory_space<vmem>>, vector<1x16xf32>,
      %swap3A_269 = vector.shape_cast %swap3A_268 : vector<1x16xf32> to vector<16xf32>
      %swap3A_270 = vector.shape_cast %broadcast_in_dim3A_11 : vector<16xf32> to vector<1x16xf32>
      tpu.vector_store %arg8[%swap3A_266, %swap3A_267], %swap3A_270 {strides = array<i32>} : memref<80x128xf32, #tpu.memory_space<vmem>>, vector<1x16xf32>,
    }
    %scan3A_16 = arith.constant 80 : i32
    %add3A_17 = arith.constant 0 : i32
    %add3A_18 = arith.addi %mul3A_2, %add3A_17 : i32
    %dma_start3A_19 = arith.constant 0 : i32
    %dma_start3A_20 = tpu.memref_slice %arg6[%add3A_18, %dma_start3A_19] : memref<10240x128xf32, #tpu.memory_space<vmem_shared>> -> memref<80x128xf32, #tpu.memory_space<vmem_shared>>
    %dma_start3A_21 = arith.constant 0 : i32
    %dma_start3A_22 = tpu.memref_slice %arg6[%add3A_18, %dma_start3A_21] : memref<10240x128xf32, #tpu.memory_space<vmem_shared>> -> memref<80x128xf32, #tpu.memory_space<vmem_shared>>
    tpu.enqueue_dma source(%arg8 : memref<80x128xf32, #tpu.memory_space<vmem>>) target(%dma_start3A_22 : memref<80x128xf32, #tpu.memory_space<vmem_shared>>) target_semaphore(%arg17 : memref<!tpu.dma_semaphore, #tpu.memory_space<semaphore_mem>>)
    %add3A_23 = arith.constant 80 : i32
    %add3A_24 = arith.addi %mul3A_2, %add3A_23 : i32
    %dma_start3A_25 = arith.constant 0 : i32
    %dma_start3A_26 = tpu.memref_slice %arg6[%add3A_24, %dma_start3A_25] : memref<10240x128xf32, #tpu.memory_space<vmem_shared>> -> memref<80x128xf32, #tpu.memory_space<vmem_shared>>
    %dma_start3A_27 = arith.constant 0 : i32
    %dma_start3A_28 = tpu.memref_slice %arg6[%add3A_24, %dma_start3A_27] : memref<10240x128xf32, #tpu.memory_space<vmem_shared>> -> memref<80x128xf32, #tpu.memory_space<vmem_shared>>
    tpu.enqueue_dma source(%arg8 : memref<80x128xf32, #tpu.memory_space<vmem>>) target(%dma_start3A_28 : memref<80x128xf32, #tpu.memory_space<vmem_shared>>) target_semaphore(%arg18 : memref<!tpu.dma_semaphore, #tpu.memory_space<semaphore_mem>>)
    %add3A_29 = arith.constant 160 : i32
    %add3A_30 = arith.addi %mul3A_2, %add3A_29 : i32
    %dma_start3A_31 = arith.constant 0 : i32
    %dma_start3A_32 = tpu.memref_slice %arg6[%add3A_30, %dma_start3A_31] : memref<10240x128xf32, #tpu.memory_space<vmem_shared>> -> memref<80x128xf32, #tpu.memory_space<vmem_shared>>
    %dma_start3A_33 = arith.constant 0 : i32
    %dma_start3A_34 = tpu.memref_slice %arg6[%add3A_30, %dma_start3A_33] : memref<10240x128xf32, #tpu.memory_space<vmem_shared>> -> memref<80x128xf32, #tpu.memory_space<vmem_shared>>
    tpu.enqueue_dma source(%arg8 : memref<80x128xf32, #tpu.memory_space<vmem>>) target(%dma_start3A_34 : memref<80x128xf32, #tpu.memory_space<vmem_shared>>) target_semaphore(%arg19 : memref<!tpu.dma_semaphore, #tpu.memory_space<semaphore_mem>>)
    %add3A_35 = arith.constant 240 : i32
    %add3A_36 = arith.addi %mul3A_2, %add3A_35 : i32
    %dma_start3A_37 = arith.constant 0 : i32
    %dma_start3A_38 = tpu.memref_slice %arg6[%add3A_36, %dma_start3A_37] : memref<10240x128xf32, #tpu.memory_space<vmem_shared>> -> memref<80x128xf32, #tpu.memory_space<vmem_shared>>
    %dma_start3A_39 = arith.constant 0 : i32
    %dma_start3A_40 = tpu.memref_slice %arg6[%add3A_36, %dma_start3A_39] : memref<10240x128xf32, #tpu.memory_space<vmem_shared>> -> memref<80x128xf32, #tpu.memory_space<vmem_shared>>
    tpu.enqueue_dma source(%arg8 : memref<80x128xf32, #tpu.memory_space<vmem>>) target(%dma_start3A_40 : memref<80x128xf32, #tpu.memory_space<vmem_shared>>) target_semaphore(%arg17 : memref<!tpu.dma_semaphore, #tpu.memory_space<semaphore_mem>>)
    %add3A_41 = arith.constant 320 : i32
    %add3A_42 = arith.addi %mul3A_2, %add3A_41 : i32
    %dma_start3A_43 = arith.constant 0 : i32
    %dma_start3A_44 = tpu.memref_slice %arg6[%add3A_42, %dma_start3A_43] : memref<10240x128xf32, #tpu.memory_space<vmem_shared>> -> memref<80x128xf32, #tpu.memory_space<vmem_shared>>
    %dma_start3A_45 = arith.constant 0 : i32
    %dma_start3A_46 = tpu.memref_slice %arg6[%add3A_42, %dma_start3A_45] : memref<10240x128xf32, #tpu.memory_space<vmem_shared>> -> memref<80x128xf32, #tpu.memory_space<vmem_shared>>
    tpu.enqueue_dma source(%arg8 : memref<80x128xf32, #tpu.memory_space<vmem>>) target(%dma_start3A_46 : memref<80x128xf32, #tpu.memory_space<vmem_shared>>) target_semaphore(%arg18 : memref<!tpu.dma_semaphore, #tpu.memory_space<semaphore_mem>>)
    %add3A_47 = arith.constant 400 : i32
    %add3A_48 = arith.addi %mul3A_2, %add3A_47 : i32
    %dma_start3A_49 = arith.constant 0 : i32
    %dma_start3A_50 = tpu.memref_slice %arg6[%add3A_48, %dma_start3A_49] : memref<10240x128xf32, #tpu.memory_space<vmem_shared>> -> memref<80x128xf32, #tpu.memory_space<vmem_shared>>
    %dma_start3A_51 = arith.constant 0 : i32
    %dma_start3A_52 = tpu.memref_slice %arg6[%add3A_48, %dma_start3A_51] : memref<10240x128xf32, #tpu.memory_space<vmem_shared>> -> memref<80x128xf32, #tpu.memory_space<vmem_shared>>
    tpu.enqueue_dma source(%arg8 : memref<80x128xf32, #tpu.memory_space<vmem>>) target(%dma_start3A_52 : memref<80x128xf32, #tpu.memory_space<vmem_shared>>) target_semaphore(%arg19 : memref<!tpu.dma_semaphore, #tpu.memory_space<semaphore_mem>>)
    %add3A_53 = arith.constant 480 : i32
    %add3A_54 = arith.addi %mul3A_2, %add3A_53 : i32
    %dma_start3A_55 = arith.constant 0 : i32
    %dma_start3A_56 = tpu.memref_slice %arg6[%add3A_54, %dma_start3A_55] : memref<10240x128xf32, #tpu.memory_space<vmem_shared>> -> memref<80x128xf32, #tpu.memory_space<vmem_shared>>
    %dma_start3A_57 = arith.constant 0 : i32
    %dma_start3A_58 = tpu.memref_slice %arg6[%add3A_54, %dma_start3A_57] : memref<10240x128xf32, #tpu.memory_space<vmem_shared>> -> memref<80x128xf32, #tpu.memory_space<vmem_shared>>
    tpu.enqueue_dma source(%arg8 : memref<80x128xf32, #tpu.memory_space<vmem>>) target(%dma_start3A_58 : memref<80x128xf32, #tpu.memory_space<vmem_shared>>) target_semaphore(%arg17 : memref<!tpu.dma_semaphore, #tpu.memory_space<semaphore_mem>>)
    %add3A_59 = arith.constant 560 : i32
    %add3A_60 = arith.addi %mul3A_2, %add3A_59 : i32
    %dma_start3A_61 = arith.constant 0 : i32
    %dma_start3A_62 = tpu.memref_slice %arg6[%add3A_60, %dma_start3A_61] : memref<10240x128xf32, #tpu.memory_space<vmem_shared>> -> memref<80x128xf32, #tpu.memory_space<vmem_shared>>
    %dma_start3A_63 = arith.constant 0 : i32
    %dma_start3A_64 = tpu.memref_slice %arg6[%add3A_60, %dma_start3A_63] : memref<10240x128xf32, #tpu.memory_space<vmem_shared>> -> memref<80x128xf32, #tpu.memory_space<vmem_shared>>
    tpu.enqueue_dma source(%arg8 : memref<80x128xf32, #tpu.memory_space<vmem>>) target(%dma_start3A_64 : memref<80x128xf32, #tpu.memory_space<vmem_shared>>) target_semaphore(%arg18 : memref<!tpu.dma_semaphore, #tpu.memory_space<semaphore_mem>>)
    %broadcast_in_dim3A_65 = arith.constant 1.000000e+00 : f32
    %broadcast_in_dim3A_66 = vector.broadcast %broadcast_in_dim3A_65 : f32 to vector<16xf32>
    %scan3A_67 = arith.constant 0 : i32
    %scan3A_68 = arith.constant 0 : i32
    %scan3A_69 = arith.constant 40 : i32
    %scan3A_70 = arith.addi %scan3A_68, %scan3A_69 : i32
    %scan3A_71 = arith.constant 1 : i32
    scf.for %scan3A_231 = %scan3A_68 to %scan3A_70 step %scan3A_71  : i32 {
      %mul3A_232 = arith.constant 16 : i32
      %mul3A_233 = arith.muli %scan3A_231, %mul3A_232 : i32
      %swap3A = arith.index_cast %mul3A_233 : i32 to index
      %swap3A_234 = tpu.vector_load %arg25[%swap3A] {strides = array<i32>} : memref<640xf32, #tpu.memory_space<vmem>>, vector<16xf32>,
      %swap3A_235 = vector.shape_cast %swap3A_234 : vector<16xf32> to vector<16xf32>
      %swap3A_236 = vector.shape_cast %broadcast_in_dim3A_11 : vector<16xf32> to vector<16xf32>
      tpu.vector_store %arg25[%swap3A], %swap3A_236 {strides = array<i32>} : memref<640xf32, #tpu.memory_space<vmem>>, vector<16xf32>,
    }
    %scan3A_72 = arith.constant 40 : i32
    %dma_start3A_73 = tpu.memref_slice %arg23[%mul3A_2] : memref<10240xf32, #tpu.memory_space<vmem_shared>> -> memref<640xf32, #tpu.memory_space<vmem_shared>>
    %dma_start3A_74 = tpu.memref_slice %arg23[%mul3A_2] : memref<10240xf32, #tpu.memory_space<vmem_shared>> -> memref<640xf32, #tpu.memory_space<vmem_shared>>
    tpu.enqueue_dma source(%arg25 : memref<640xf32, #tpu.memory_space<vmem>>) target(%dma_start3A_74 : memref<640xf32, #tpu.memory_space<vmem_shared>>) target_semaphore(%arg26 : memref<!tpu.dma_semaphore, #tpu.memory_space<semaphore_mem>>)
    %scan3A_75 = arith.constant 0 : i32
    %scan3A_76 = arith.constant 0 : i32
    %scan3A_77 = arith.constant 5 : i32
    %scan3A_78 = arith.addi %scan3A_76, %scan3A_77 : i32
    %scan3A_79 = arith.constant 1 : i32
    scf.for %scan3A_231 = %scan3A_76 to %scan3A_78 step %scan3A_79  : i32 {
      %mul3A_232 = arith.constant 16 : i32
      %mul3A_233 = arith.muli %scan3A_231, %mul3A_232 : i32
      %swap3A = arith.index_cast %mul3A_233 : i32 to index
      %swap3A_234 = tpu.vector_load %arg24[%swap3A] {strides = array<i32>} : memref<80xf32, #tpu.memory_space<vmem>>, vector<16xf32>,
      %swap3A_235 = vector.shape_cast %swap3A_234 : vector<16xf32> to vector<16xf32>
      %swap3A_236 = vector.shape_cast %broadcast_in_dim3A_66 : vector<16xf32> to vector<16xf32>
      tpu.vector_store %arg24[%swap3A], %swap3A_236 {strides = array<i32>} : memref<80xf32, #tpu.memory_space<vmem>>, vector<16xf32>,
    }
    %scan3A_80 = arith.constant 5 : i32
    %dma_wait3A = tpu.memref_slice %arg23[%mul3A_2] : memref<10240xf32, #tpu.memory_space<vmem_shared>> -> memref<640xf32, #tpu.memory_space<vmem_shared>>
    %dma_wait3A_81 = tpu.memref_slice %arg23[%mul3A_2] : memref<10240xf32, #tpu.memory_space<vmem_shared>> -> memref<640xf32, #tpu.memory_space<vmem_shared>>
    tpu.wait_dma2 semaphore(%arg26 : memref<!tpu.dma_semaphore, #tpu.memory_space<semaphore_mem>>) src(%arg25 : memref<640xf32, #tpu.memory_space<vmem>>) dst(%dma_wait3A_81 : memref<640xf32, #tpu.memory_space<vmem_shared>>)
    %add3A_82 = arith.constant 0 : i32
    %add3A_83 = arith.addi %mul3A_2, %add3A_82 : i32
    %dma_wait3A_84 = arith.constant 0 : i32
    %dma_wait3A_85 = tpu.memref_slice %arg6[%add3A_83, %dma_wait3A_84] : memref<10240x128xf32, #tpu.memory_space<vmem_shared>> -> memref<80x128xf32, #tpu.memory_space<vmem_shared>>
    %dma_wait3A_86 = arith.constant 0 : i32
    %dma_wait3A_87 = tpu.memref_slice %arg6[%add3A_83, %dma_wait3A_86] : memref<10240x128xf32, #tpu.memory_space<vmem_shared>> -> memref<80x128xf32, #tpu.memory_space<vmem_shared>>
    tpu.wait_dma2 semaphore(%arg17 : memref<!tpu.dma_semaphore, #tpu.memory_space<semaphore_mem>>) src(%arg8 : memref<80x128xf32, #tpu.memory_space<vmem>>) dst(%dma_wait3A_87 : memref<80x128xf32, #tpu.memory_space<vmem_shared>>)
    %add3A_88 = arith.constant 80 : i32
    %add3A_89 = arith.addi %mul3A_2, %add3A_88 : i32
    %dma_wait3A_90 = arith.constant 0 : i32
    %dma_wait3A_91 = tpu.memref_slice %arg6[%add3A_89, %dma_wait3A_90] : memref<10240x128xf32, #tpu.memory_space<vmem_shared>> -> memref<80x128xf32, #tpu.memory_space<vmem_shared>>
    %dma_wait3A_92 = arith.constant 0 : i32
    %dma_wait3A_93 = tpu.memref_slice %arg6[%add3A_89, %dma_wait3A_92] : memref<10240x128xf32, #tpu.memory_space<vmem_shared>> -> memref<80x128xf32, #tpu.memory_space<vmem_shared>>
    tpu.wait_dma2 semaphore(%arg18 : memref<!tpu.dma_semaphore, #tpu.memory_space<semaphore_mem>>) src(%arg8 : memref<80x128xf32, #tpu.memory_space<vmem>>) dst(%dma_wait3A_93 : memref<80x128xf32, #tpu.memory_space<vmem_shared>>)
    %add3A_94 = arith.constant 160 : i32
    %add3A_95 = arith.addi %mul3A_2, %add3A_94 : i32
    %dma_wait3A_96 = arith.constant 0 : i32
    %dma_wait3A_97 = tpu.memref_slice %arg6[%add3A_95, %dma_wait3A_96] : memref<10240x128xf32, #tpu.memory_space<vmem_shared>> -> memref<80x128xf32, #tpu.memory_space<vmem_shared>>
    %dma_wait3A_98 = arith.constant 0 : i32
    %dma_wait3A_99 = tpu.memref_slice %arg6[%add3A_95, %dma_wait3A_98] : memref<10240x128xf32, #tpu.memory_space<vmem_shared>> -> memref<80x128xf32, #tpu.memory_space<vmem_shared>>
    tpu.wait_dma2 semaphore(%arg19 : memref<!tpu.dma_semaphore, #tpu.memory_space<semaphore_mem>>) src(%arg8 : memref<80x128xf32, #tpu.memory_space<vmem>>) dst(%dma_wait3A_99 : memref<80x128xf32, #tpu.memory_space<vmem_shared>>)
    %add3A_100 = arith.constant 240 : i32
    %add3A_101 = arith.addi %mul3A_2, %add3A_100 : i32
    %dma_wait3A_102 = arith.constant 0 : i32
    %dma_wait3A_103 = tpu.memref_slice %arg6[%add3A_101, %dma_wait3A_102] : memref<10240x128xf32, #tpu.memory_space<vmem_shared>> -> memref<80x128xf32, #tpu.memory_space<vmem_shared>>
    %dma_wait3A_104 = arith.constant 0 : i32
    %dma_wait3A_105 = tpu.memref_slice %arg6[%add3A_101, %dma_wait3A_104] : memref<10240x128xf32, #tpu.memory_space<vmem_shared>> -> memref<80x128xf32, #tpu.memory_space<vmem_shared>>
    tpu.wait_dma2 semaphore(%arg17 : memref<!tpu.dma_semaphore, #tpu.memory_space<semaphore_mem>>) src(%arg8 : memref<80x128xf32, #tpu.memory_space<vmem>>) dst(%dma_wait3A_105 : memref<80x128xf32, #tpu.memory_space<vmem_shared>>)
    %add3A_106 = arith.constant 320 : i32
    %add3A_107 = arith.addi %mul3A_2, %add3A_106 : i32
    %dma_wait3A_108 = arith.constant 0 : i32
    %dma_wait3A_109 = tpu.memref_slice %arg6[%add3A_107, %dma_wait3A_108] : memref<10240x128xf32, #tpu.memory_space<vmem_shared>> -> memref<80x128xf32, #tpu.memory_space<vmem_shared>>
    %dma_wait3A_110 = arith.constant 0 : i32
    %dma_wait3A_111 = tpu.memref_slice %arg6[%add3A_107, %dma_wait3A_110] : memref<10240x128xf32, #tpu.memory_space<vmem_shared>> -> memref<80x128xf32, #tpu.memory_space<vmem_shared>>
    tpu.wait_dma2 semaphore(%arg18 : memref<!tpu.dma_semaphore, #tpu.memory_space<semaphore_mem>>) src(%arg8 : memref<80x128xf32, #tpu.memory_space<vmem>>) dst(%dma_wait3A_111 : memref<80x128xf32, #tpu.memory_space<vmem_shared>>)
    %add3A_112 = arith.constant 400 : i32
    %add3A_113 = arith.addi %mul3A_2, %add3A_112 : i32
    %dma_wait3A_114 = arith.constant 0 : i32
    %dma_wait3A_115 = tpu.memref_slice %arg6[%add3A_113, %dma_wait3A_114] : memref<10240x128xf32, #tpu.memory_space<vmem_shared>> -> memref<80x128xf32, #tpu.memory_space<vmem_shared>>
    %dma_wait3A_116 = arith.constant 0 : i32
    %dma_wait3A_117 = tpu.memref_slice %arg6[%add3A_113, %dma_wait3A_116] : memref<10240x128xf32, #tpu.memory_space<vmem_shared>> -> memref<80x128xf32, #tpu.memory_space<vmem_shared>>
    tpu.wait_dma2 semaphore(%arg19 : memref<!tpu.dma_semaphore, #tpu.memory_space<semaphore_mem>>) src(%arg8 : memref<80x128xf32, #tpu.memory_space<vmem>>) dst(%dma_wait3A_117 : memref<80x128xf32, #tpu.memory_space<vmem_shared>>)
    %add3A_118 = arith.constant 480 : i32
    %add3A_119 = arith.addi %mul3A_2, %add3A_118 : i32
    %dma_wait3A_120 = arith.constant 0 : i32
    %dma_wait3A_121 = tpu.memref_slice %arg6[%add3A_119, %dma_wait3A_120] : memref<10240x128xf32, #tpu.memory_space<vmem_shared>> -> memref<80x128xf32, #tpu.memory_space<vmem_shared>>
    %dma_wait3A_122 = arith.constant 0 : i32
    %dma_wait3A_123 = tpu.memref_slice %arg6[%add3A_119, %dma_wait3A_122] : memref<10240x128xf32, #tpu.memory_space<vmem_shared>> -> memref<80x128xf32, #tpu.memory_space<vmem_shared>>
    tpu.wait_dma2 semaphore(%arg17 : memref<!tpu.dma_semaphore, #tpu.memory_space<semaphore_mem>>) src(%arg8 : memref<80x128xf32, #tpu.memory_space<vmem>>) dst(%dma_wait3A_123 : memref<80x128xf32, #tpu.memory_space<vmem_shared>>)
    %add3A_124 = arith.constant 560 : i32
    %add3A_125 = arith.addi %mul3A_2, %add3A_124 : i32
    %dma_wait3A_126 = arith.constant 0 : i32
    %dma_wait3A_127 = tpu.memref_slice %arg6[%add3A_125, %dma_wait3A_126] : memref<10240x128xf32, #tpu.memory_space<vmem_shared>> -> memref<80x128xf32, #tpu.memory_space<vmem_shared>>
    %dma_wait3A_128 = arith.constant 0 : i32
    %dma_wait3A_129 = tpu.memref_slice %arg6[%add3A_125, %dma_wait3A_128] : memref<10240x128xf32, #tpu.memory_space<vmem_shared>> -> memref<80x128xf32, #tpu.memory_space<vmem_shared>>
    tpu.wait_dma2 semaphore(%arg18 : memref<!tpu.dma_semaphore, #tpu.memory_space<semaphore_mem>>) src(%arg8 : memref<80x128xf32, #tpu.memory_space<vmem>>) dst(%dma_wait3A_129 : memref<80x128xf32, #tpu.memory_space<vmem_shared>>)
    %dma_wait3A_130 = arith.constant 0 : i32
    %dma_wait3A_131 = tpu.memref_slice %arg3[%dma_wait3A_130, %mul3A_6] : memref<2x320000xi32, #tpu.memory_space<hbm>> -> memref<1x10000xi32, #tpu.memory_space<hbm>>
    %dma_wait3A_132 = tpu.memref_squeeze %dma_wait3A_131 : memref<1x10000xi32, #tpu.memory_space<hbm>> -> memref<10000xi32, #tpu.memory_space<hbm>>
    %dma_wait3A_133 = tpu.memref_slice %arg3[%dma_wait3A_130, %mul3A_6] : memref<2x320000xi32, #tpu.memory_space<hbm>> -> memref<1x10000xi32, #tpu.memory_space<hbm>>
    %dma_wait3A_134 = tpu.memref_squeeze %dma_wait3A_133 : memref<1x10000xi32, #tpu.memory_space<hbm>> -> memref<10000xi32, #tpu.memory_space<hbm>>
    tpu.wait_dma2 semaphore(%arg22 : memref<!tpu.dma_semaphore, #tpu.memory_space<semaphore_mem>>) src(%dma_wait3A_134 : memref<10000xi32, #tpu.memory_space<hbm>>) dst(%arg7 : memref<10000xi32, #tpu.memory_space<vmem>>)
    %barrier3A = arith.constant 0 : index
    tpu.barrier barrier_id(%barrier3A)
    %add3A_135 = arith.constant 0 : i32
    %add3A_136 = arith.addi %mul3A_6, %add3A_135 : i32
    %dma_start3A_137 = arith.constant 1 : i32
    %dma_start3A_138 = tpu.memref_slice %arg3[%dma_start3A_137, %add3A_136] : memref<2x320000xi32, #tpu.memory_space<hbm>> -> memref<1x80xi32, #tpu.memory_space<hbm>>
    %dma_start3A_139 = tpu.memref_squeeze %dma_start3A_138 : memref<1x80xi32, #tpu.memory_space<hbm>> -> memref<80xi32, #tpu.memory_space<hbm>>
    %dma_start3A_140 = tpu.memref_slice %arg3[%dma_start3A_137, %add3A_136] : memref<2x320000xi32, #tpu.memory_space<hbm>> -> memref<1x80xi32, #tpu.memory_space<hbm>>
    %dma_start3A_141 = tpu.memref_squeeze %dma_start3A_140 : memref<1x80xi32, #tpu.memory_space<hbm>> -> memref<80xi32, #tpu.memory_space<hbm>>
    tpu.enqueue_dma source(%dma_start3A_141 : memref<80xi32, #tpu.memory_space<hbm>>) target(%arg11 : memref<80xi32, #tpu.memory_space<vmem>>) target_semaphore(%arg20 : memref<!tpu.dma_semaphore, #tpu.memory_space<semaphore_mem>>)
    %dma_start3A_142 = arith.constant 0 : i32
    %dma_start3A_143 = tpu.memref_slice %arg7[%dma_start3A_142] : memref<10000xi32, #tpu.memory_space<vmem>> -> memref<80xi32, #tpu.memory_space<vmem>>
    %dma_start3A_144 = arith.constant 0 : i32
    %dma_start3A_145 = arith.constant 0 : i32
    %dma_start3A_146 = tpu.memref_slice %arg2[%dma_start3A_144, %dma_start3A_145] : memref<10000x128xf32, #tpu.memory_space<hbm>> -> memref<10000x128xf32, #tpu.memory_space<hbm>>
    tpu.enqueue_indirect_dma source(%dma_start3A_146 : memref<10000x128xf32, #tpu.memory_space<hbm>>) target(%arg8 : memref<80x128xf32, #tpu.memory_space<vmem>>) offsets(%dma_start3A_143 : memref<80xi32, #tpu.memory_space<vmem>>) semaphore(%arg14 : memref<!tpu.dma_semaphore, #tpu.memory_space<semaphore_mem>>)
    %add3A_147 = arith.constant 80 : i32
    %add3A_148 = arith.addi %mul3A_6, %add3A_147 : i32
    %dma_start3A_149 = arith.constant 1 : i32
    %dma_start3A_150 = tpu.memref_slice %arg3[%dma_start3A_149, %add3A_148] : memref<2x320000xi32, #tpu.memory_space<hbm>> -> memref<1x80xi32, #tpu.memory_space<hbm>>
    %dma_start3A_151 = tpu.memref_squeeze %dma_start3A_150 : memref<1x80xi32, #tpu.memory_space<hbm>> -> memref<80xi32, #tpu.memory_space<hbm>>
    %dma_start3A_152 = tpu.memref_slice %arg3[%dma_start3A_149, %add3A_148] : memref<2x320000xi32, #tpu.memory_space<hbm>> -> memref<1x80xi32, #tpu.memory_space<hbm>>
    %dma_start3A_153 = tpu.memref_squeeze %dma_start3A_152 : memref<1x80xi32, #tpu.memory_space<hbm>> -> memref<80xi32, #tpu.memory_space<hbm>>
    tpu.enqueue_dma source(%dma_start3A_153 : memref<80xi32, #tpu.memory_space<hbm>>) target(%arg12 : memref<80xi32, #tpu.memory_space<vmem>>) target_semaphore(%arg21 : memref<!tpu.dma_semaphore, #tpu.memory_space<semaphore_mem>>)
    %dma_start3A_154 = arith.constant 80 : i32
    %dma_start3A_155 = tpu.memref_slice %arg7[%dma_start3A_154] : memref<10000xi32, #tpu.memory_space<vmem>> -> memref<80xi32, #tpu.memory_space<vmem>>
    %dma_start3A_156 = arith.constant 0 : i32
    %dma_start3A_157 = arith.constant 0 : i32
    %dma_start3A_158 = tpu.memref_slice %arg2[%dma_start3A_156, %dma_start3A_157] : memref<10000x128xf32, #tpu.memory_space<hbm>> -> memref<10000x128xf32, #tpu.memory_space<hbm>>
    tpu.enqueue_indirect_dma source(%dma_start3A_158 : memref<10000x128xf32, #tpu.memory_space<hbm>>) target(%arg9 : memref<80x128xf32, #tpu.memory_space<vmem>>) offsets(%dma_start3A_155 : memref<80xi32, #tpu.memory_space<vmem>>) semaphore(%arg15 : memref<!tpu.dma_semaphore, #tpu.memory_space<semaphore_mem>>)
    %scan3A_159 = arith.constant 0 : i32
    %scan3A_160 = arith.constant 0 : i32
    %scan3A_161 = arith.constant 41 : i32
    %scan3A_162 = arith.addi %scan3A_160, %scan3A_161 : i32
    %scan3A_163 = arith.constant 1 : i32
    scf.for %scan3A_231 = %scan3A_160 to %scan3A_162 step %scan3A_163  : i32 {
      %mul3A_232 = arith.constant 3 : i32
      %mul3A_233 = arith.muli %mul3A_232, %scan3A_231 : i32
      %mul3A_234 = arith.constant 80 : i32
      %mul3A_235 = arith.muli %mul3A_233, %mul3A_234 : i32
      %add3A_236 = arith.addi %mul3A_6, %mul3A_235 : i32
      %dma_wait3A_237 = arith.constant 1 : i32
      %dma_wait3A_238 = tpu.memref_slice %arg3[%dma_wait3A_237, %add3A_236] : memref<2x320000xi32, #tpu.memory_space<hbm>> -> memref<1x80xi32, #tpu.memory_space<hbm>>
      %dma_wait3A_239 = tpu.memref_squeeze %dma_wait3A_238 : memref<1x80xi32, #tpu.memory_space<hbm>> -> memref<80xi32, #tpu.memory_space<hbm>>
      %dma_wait3A_240 = tpu.memref_slice %arg3[%dma_wait3A_237, %add3A_236] : memref<2x320000xi32, #tpu.memory_space<hbm>> -> memref<1x80xi32, #tpu.memory_space<hbm>>
      %dma_wait3A_241 = tpu.memref_squeeze %dma_wait3A_240 : memref<1x80xi32, #tpu.memory_space<hbm>> -> memref<80xi32, #tpu.memory_space<hbm>>
      tpu.wait_dma2 semaphore(%arg20 : memref<!tpu.dma_semaphore, #tpu.memory_space<semaphore_mem>>) src(%dma_wait3A_241 : memref<80xi32, #tpu.memory_space<hbm>>) dst(%arg11 : memref<80xi32, #tpu.memory_space<vmem>>)
      %mul3A_242 = arith.constant 80 : i32
      %mul3A_243 = arith.muli %mul3A_233, %mul3A_242 : i32
      %dma_wait3A_244 = tpu.memref_slice %arg7[%mul3A_243] : memref<10000xi32, #tpu.memory_space<vmem>> -> memref<80xi32, #tpu.memory_space<vmem>>
      %dma_wait3A_245 = arith.constant 0 : i32
      %dma_wait3A_246 = arith.constant 0 : i32
      %dma_wait3A_247 = tpu.memref_slice %arg2[%dma_wait3A_245, %dma_wait3A_246] : memref<10000x128xf32, #tpu.memory_space<hbm>> -> memref<10000x128xf32, #tpu.memory_space<hbm>>
      tpu.wait_indirect_dma semaphore(%arg14 : memref<!tpu.dma_semaphore, #tpu.memory_space<semaphore_mem>>) src(%dma_wait3A_247 : memref<10000x128xf32, #tpu.memory_space<hbm>>) dst(%arg8 : memref<80x128xf32, #tpu.memory_space<vmem>>)
      %dma_start3A_248 = arith.constant 0 : i32
      %dma_start3A_249 = arith.constant 0 : i32
      %dma_start3A_250 = tpu.memref_slice %arg6[%dma_start3A_248, %dma_start3A_249] : memref<10240x128xf32, #tpu.memory_space<vmem_shared>> -> memref<10240x128xf32, #tpu.memory_space<vmem_shared>>
      tpu.enqueue_indirect_dma source(%arg8 : memref<80x128xf32, #tpu.memory_space<vmem>>) target(%dma_start3A_250 : memref<10240x128xf32, #tpu.memory_space<vmem_shared>>) offsets(%arg11 : memref<80xi32, #tpu.memory_space<vmem>>) semaphore(%arg17 : memref<!tpu.dma_semaphore, #tpu.memory_space<semaphore_mem>>) {add = true}
      %dma_start3A_251 = arith.constant 0 : i32
      %dma_start3A_252 = tpu.memref_slice %arg23[%dma_start3A_251] : memref<10240xf32, #tpu.memory_space<vmem_shared>> -> memref<10240xf32, #tpu.memory_space<vmem_shared>>
      tpu.enqueue_indirect_dma source(%arg24 : memref<80xf32, #tpu.memory_space<vmem>>) target(%dma_start3A_252 : memref<10240xf32, #tpu.memory_space<vmem_shared>>) offsets(%arg11 : memref<80xi32, #tpu.memory_space<vmem>>) semaphore(%arg26 : memref<!tpu.dma_semaphore, #tpu.memory_space<semaphore_mem>>) {add = true}
      %gt3A = arith.constant 0 : i32
      %gt3A_253 = arith.cmpi sgt, %scan3A_231, %gt3A : i32
      %convert_element_type3A = arith.extui %gt3A_253 : i1 to i32
      %cond3A = arith.constant 0 : i32
      %cond3A_254 = arith.cmpi ne, %convert_element_type3A, %cond3A : i32
      scf.if %cond3A_254 {
        %dma_wait3A_355 = arith.constant 0 : i32
        %dma_wait3A_356 = arith.constant 0 : i32
        %dma_wait3A_357 = tpu.memref_slice %arg6[%dma_wait3A_355, %dma_wait3A_356] : memref<10240x128xf32, #tpu.memory_space<vmem_shared>> -> memref<10240x128xf32, #tpu.memory_space<vmem_shared>>
        tpu.wait_indirect_dma semaphore(%arg19 : memref<!tpu.dma_semaphore, #tpu.memory_space<semaphore_mem>>) src(%arg10 : memref<80x128xf32, #tpu.memory_space<vmem>>) dst(%dma_wait3A_357 : memref<10240x128xf32, #tpu.memory_space<vmem_shared>>)
        %dma_wait3A_358 = arith.constant 0 : i32
        %dma_wait3A_359 = tpu.memref_slice %arg23[%dma_wait3A_358] : memref<10240xf32, #tpu.memory_space<vmem_shared>> -> memref<10240xf32, #tpu.memory_space<vmem_shared>>
        tpu.wait_indirect_dma semaphore(%arg28 : memref<!tpu.dma_semaphore, #tpu.memory_space<semaphore_mem>>) src(%arg24 : memref<80xf32, #tpu.memory_space<vmem>>) dst(%dma_wait3A_359 : memref<10240xf32, #tpu.memory_space<vmem_shared>>)
      } else {
      }
      %add3A_255 = arith.constant 2 : i32
      %add3A_256 = arith.addi %mul3A_233, %add3A_255 : i32
      %mul3A_257 = arith.constant 80 : i32
      %mul3A_258 = arith.muli %add3A_256, %mul3A_257 : i32
      %add3A_259 = arith.addi %mul3A_6, %mul3A_258 : i32
      %dma_start3A_260 = arith.constant 1 : i32
      %dma_start3A_261 = tpu.memref_slice %arg3[%dma_start3A_260, %add3A_259] : memref<2x320000xi32, #tpu.memory_space<hbm>> -> memref<1x80xi32, #tpu.memory_space<hbm>>
      %dma_start3A_262 = tpu.memref_squeeze %dma_start3A_261 : memref<1x80xi32, #tpu.memory_space<hbm>> -> memref<80xi32, #tpu.memory_space<hbm>>
      %dma_start3A_263 = tpu.memref_slice %arg3[%dma_start3A_260, %add3A_259] : memref<2x320000xi32, #tpu.memory_space<hbm>> -> memref<1x80xi32, #tpu.memory_space<hbm>>
      %dma_start3A_264 = tpu.memref_squeeze %dma_start3A_263 : memref<1x80xi32, #tpu.memory_space<hbm>> -> memref<80xi32, #tpu.memory_space<hbm>>
      tpu.enqueue_dma source(%dma_start3A_264 : memref<80xi32, #tpu.memory_space<hbm>>) target(%arg13 : memref<80xi32, #tpu.memory_space<vmem>>) target_semaphore(%arg22 : memref<!tpu.dma_semaphore, #tpu.memory_space<semaphore_mem>>)
      %mul3A_265 = arith.constant 80 : i32
      %mul3A_266 = arith.muli %add3A_256, %mul3A_265 : i32
      %dma_start3A_267 = tpu.memref_slice %arg7[%mul3A_266] : memref<10000xi32, #tpu.memory_space<vmem>> -> memref<80xi32, #tpu.memory_space<vmem>>
      %dma_start3A_268 = arith.constant 0 : i32
      %dma_start3A_269 = arith.constant 0 : i32
      %dma_start3A_270 = tpu.memref_slice %arg2[%dma_start3A_268, %dma_start3A_269] : memref<10000x128xf32, #tpu.memory_space<hbm>> -> memref<10000x128xf32, #tpu.memory_space<hbm>>
      tpu.enqueue_indirect_dma source(%dma_start3A_270 : memref<10000x128xf32, #tpu.memory_space<hbm>>) target(%arg10 : memref<80x128xf32, #tpu.memory_space<vmem>>) offsets(%dma_start3A_267 : memref<80xi32, #tpu.memory_space<vmem>>) semaphore(%arg16 : memref<!tpu.dma_semaphore, #tpu.memory_space<semaphore_mem>>)
      %add3A_271 = arith.constant 1 : i32
      %add3A_272 = arith.addi %mul3A_233, %add3A_271 : i32
      %mul3A_273 = arith.constant 80 : i32
      %mul3A_274 = arith.muli %add3A_272, %mul3A_273 : i32
      %add3A_275 = arith.addi %mul3A_6, %mul3A_274 : i32
      %dma_wait3A_276 = arith.constant 1 : i32
      %dma_wait3A_277 = tpu.memref_slice %arg3[%dma_wait3A_276, %add3A_275] : memref<2x320000xi32, #tpu.memory_space<hbm>> -> memref<1x80xi32, #tpu.memory_space<hbm>>
      %dma_wait3A_278 = tpu.memref_squeeze %dma_wait3A_277 : memref<1x80xi32, #tpu.memory_space<hbm>> -> memref<80xi32, #tpu.memory_space<hbm>>
      %dma_wait3A_279 = tpu.memref_slice %arg3[%dma_wait3A_276, %add3A_275] : memref<2x320000xi32, #tpu.memory_space<hbm>> -> memref<1x80xi32, #tpu.memory_space<hbm>>
      %dma_wait3A_280 = tpu.memref_squeeze %dma_wait3A_279 : memref<1x80xi32, #tpu.memory_space<hbm>> -> memref<80xi32, #tpu.memory_space<hbm>>
      tpu.wait_dma2 semaphore(%arg21 : memref<!tpu.dma_semaphore, #tpu.memory_space<semaphore_mem>>) src(%dma_wait3A_280 : memref<80xi32, #tpu.memory_space<hbm>>) dst(%arg12 : memref<80xi32, #tpu.memory_space<vmem>>)
      %mul3A_281 = arith.constant 80 : i32
      %mul3A_282 = arith.muli %add3A_272, %mul3A_281 : i32
      %dma_wait3A_283 = tpu.memref_slice %arg7[%mul3A_282] : memref<10000xi32, #tpu.memory_space<vmem>> -> memref<80xi32, #tpu.memory_space<vmem>>
      %dma_wait3A_284 = arith.constant 0 : i32
      %dma_wait3A_285 = arith.constant 0 : i32
      %dma_wait3A_286 = tpu.memref_slice %arg2[%dma_wait3A_284, %dma_wait3A_285] : memref<10000x128xf32, #tpu.memory_space<hbm>> -> memref<10000x128xf32, #tpu.memory_space<hbm>>
      tpu.wait_indirect_dma semaphore(%arg15 : memref<!tpu.dma_semaphore, #tpu.memory_space<semaphore_mem>>) src(%dma_wait3A_286 : memref<10000x128xf32, #tpu.memory_space<hbm>>) dst(%arg9 : memref<80x128xf32, #tpu.memory_space<vmem>>)
      %dma_start3A_287 = arith.constant 0 : i32
      %dma_start3A_288 = arith.constant 0 : i32
      %dma_start3A_289 = tpu.memref_slice %arg6[%dma_start3A_287, %dma_start3A_288] : memref<10240x128xf32, #tpu.memory_space<vmem_shared>> -> memref<10240x128xf32, #tpu.memory_space<vmem_shared>>
      tpu.enqueue_indirect_dma source(%arg9 : memref<80x128xf32, #tpu.memory_space<vmem>>) target(%dma_start3A_289 : memref<10240x128xf32, #tpu.memory_space<vmem_shared>>) offsets(%arg12 : memref<80xi32, #tpu.memory_space<vmem>>) semaphore(%arg18 : memref<!tpu.dma_semaphore, #tpu.memory_space<semaphore_mem>>) {add = true}
      %dma_start3A_290 = arith.constant 0 : i32
      %dma_start3A_291 = tpu.memref_slice %arg23[%dma_start3A_290] : memref<10240xf32, #tpu.memory_space<vmem_shared>> -> memref<10240xf32, #tpu.memory_space<vmem_shared>>
      tpu.enqueue_indirect_dma source(%arg24 : memref<80xf32, #tpu.memory_space<vmem>>) target(%dma_start3A_291 : memref<10240xf32, #tpu.memory_space<vmem_shared>>) offsets(%arg12 : memref<80xi32, #tpu.memory_space<vmem>>) semaphore(%arg27 : memref<!tpu.dma_semaphore, #tpu.memory_space<semaphore_mem>>) {add = true}
      %dma_wait3A_292 = arith.constant 0 : i32
      %dma_wait3A_293 = arith.constant 0 : i32
      %dma_wait3A_294 = tpu.memref_slice %arg6[%dma_wait3A_292, %dma_wait3A_293] : memref<10240x128xf32, #tpu.memory_space<vmem_shared>> -> memref<10240x128xf32, #tpu.memory_space<vmem_shared>>
      tpu.wait_indirect_dma semaphore(%arg17 : memref<!tpu.dma_semaphore, #tpu.memory_space<semaphore_mem>>) src(%arg8 : memref<80x128xf32, #tpu.memory_space<vmem>>) dst(%dma_wait3A_294 : memref<10240x128xf32, #tpu.memory_space<vmem_shared>>)
      %dma_wait3A_295 = arith.constant 0 : i32
      %dma_wait3A_296 = tpu.memref_slice %arg23[%dma_wait3A_295] : memref<10240xf32, #tpu.memory_space<vmem_shared>> -> memref<10240xf32, #tpu.memory_space<vmem_shared>>
      tpu.wait_indirect_dma semaphore(%arg26 : memref<!tpu.dma_semaphore, #tpu.memory_space<semaphore_mem>>) src(%arg24 : memref<80xf32, #tpu.memory_space<vmem>>) dst(%dma_wait3A_296 : memref<10240xf32, #tpu.memory_space<vmem_shared>>)
      %add3A_297 = arith.constant 3 : i32
      %add3A_298 = arith.addi %mul3A_233, %add3A_297 : i32
      %mul3A_299 = arith.constant 80 : i32
      %mul3A_300 = arith.muli %add3A_298, %mul3A_299 : i32
      %add3A_301 = arith.addi %mul3A_6, %mul3A_300 : i32
      %dma_start3A_302 = arith.constant 1 : i32
      %dma_start3A_303 = tpu.memref_slice %arg3[%dma_start3A_302, %add3A_301] : memref<2x320000xi32, #tpu.memory_space<hbm>> -> memref<1x80xi32, #tpu.memory_space<hbm>>
      %dma_start3A_304 = tpu.memref_squeeze %dma_start3A_303 : memref<1x80xi32, #tpu.memory_space<hbm>> -> memref<80xi32, #tpu.memory_space<hbm>>
      %dma_start3A_305 = tpu.memref_slice %arg3[%dma_start3A_302, %add3A_301] : memref<2x320000xi32, #tpu.memory_space<hbm>> -> memref<1x80xi32, #tpu.memory_space<hbm>>
      %dma_start3A_306 = tpu.memref_squeeze %dma_start3A_305 : memref<1x80xi32, #tpu.memory_space<hbm>> -> memref<80xi32, #tpu.memory_space<hbm>>
      tpu.enqueue_dma source(%dma_start3A_306 : memref<80xi32, #tpu.memory_space<hbm>>) target(%arg11 : memref<80xi32, #tpu.memory_space<vmem>>) target_semaphore(%arg20 : memref<!tpu.dma_semaphore, #tpu.memory_space<semaphore_mem>>)
      %mul3A_307 = arith.constant 80 : i32
      %mul3A_308 = arith.muli %add3A_298, %mul3A_307 : i32
      %dma_start3A_309 = tpu.memref_slice %arg7[%mul3A_308] : memref<10000xi32, #tpu.memory_space<vmem>> -> memref<80xi32, #tpu.memory_space<vmem>>
      %dma_start3A_310 = arith.constant 0 : i32
      %dma_start3A_311 = arith.constant 0 : i32
      %dma_start3A_312 = tpu.memref_slice %arg2[%dma_start3A_310, %dma_start3A_311] : memref<10000x128xf32, #tpu.memory_space<hbm>> -> memref<10000x128xf32, #tpu.memory_space<hbm>>
      tpu.enqueue_indirect_dma source(%dma_start3A_312 : memref<10000x128xf32, #tpu.memory_space<hbm>>) target(%arg8 : memref<80x128xf32, #tpu.memory_space<vmem>>) offsets(%dma_start3A_309 : memref<80xi32, #tpu.memory_space<vmem>>) semaphore(%arg14 : memref<!tpu.dma_semaphore, #tpu.memory_space<semaphore_mem>>)
      %add3A_313 = arith.constant 2 : i32
      %add3A_314 = arith.addi %mul3A_233, %add3A_313 : i32
      %mul3A_315 = arith.constant 80 : i32
      %mul3A_316 = arith.muli %add3A_314, %mul3A_315 : i32
      %add3A_317 = arith.addi %mul3A_6, %mul3A_316 : i32
      %dma_wait3A_318 = arith.constant 1 : i32
      %dma_wait3A_319 = tpu.memref_slice %arg3[%dma_wait3A_318, %add3A_317] : memref<2x320000xi32, #tpu.memory_space<hbm>> -> memref<1x80xi32, #tpu.memory_space<hbm>>
      %dma_wait3A_320 = tpu.memref_squeeze %dma_wait3A_319 : memref<1x80xi32, #tpu.memory_space<hbm>> -> memref<80xi32, #tpu.memory_space<hbm>>
      %dma_wait3A_321 = tpu.memref_slice %arg3[%dma_wait3A_318, %add3A_317] : memref<2x320000xi32, #tpu.memory_space<hbm>> -> memref<1x80xi32, #tpu.memory_space<hbm>>
      %dma_wait3A_322 = tpu.memref_squeeze %dma_wait3A_321 : memref<1x80xi32, #tpu.memory_space<hbm>> -> memref<80xi32, #tpu.memory_space<hbm>>
      tpu.wait_dma2 semaphore(%arg22 : memref<!tpu.dma_semaphore, #tpu.memory_space<semaphore_mem>>) src(%dma_wait3A_322 : memref<80xi32, #tpu.memory_space<hbm>>) dst(%arg13 : memref<80xi32, #tpu.memory_space<vmem>>)
      %mul3A_323 = arith.constant 80 : i32
      %mul3A_324 = arith.muli %add3A_314, %mul3A_323 : i32
      %dma_wait3A_325 = tpu.memref_slice %arg7[%mul3A_324] : memref<10000xi32, #tpu.memory_space<vmem>> -> memref<80xi32, #tpu.memory_space<vmem>>
      %dma_wait3A_326 = arith.constant 0 : i32
      %dma_wait3A_327 = arith.constant 0 : i32
      %dma_wait3A_328 = tpu.memref_slice %arg2[%dma_wait3A_326, %dma_wait3A_327] : memref<10000x128xf32, #tpu.memory_space<hbm>> -> memref<10000x128xf32, #tpu.memory_space<hbm>>
      tpu.wait_indirect_dma semaphore(%arg16 : memref<!tpu.dma_semaphore, #tpu.memory_space<semaphore_mem>>) src(%dma_wait3A_328 : memref<10000x128xf32, #tpu.memory_space<hbm>>) dst(%arg10 : memref<80x128xf32, #tpu.memory_space<vmem>>)
      %dma_start3A_329 = arith.constant 0 : i32
      %dma_start3A_330 = arith.constant 0 : i32
      %dma_start3A_331 = tpu.memref_slice %arg6[%dma_start3A_329, %dma_start3A_330] : memref<10240x128xf32, #tpu.memory_space<vmem_shared>> -> memref<10240x128xf32, #tpu.memory_space<vmem_shared>>
      tpu.enqueue_indirect_dma source(%arg10 : memref<80x128xf32, #tpu.memory_space<vmem>>) target(%dma_start3A_331 : memref<10240x128xf32, #tpu.memory_space<vmem_shared>>) offsets(%arg13 : memref<80xi32, #tpu.memory_space<vmem>>) semaphore(%arg19 : memref<!tpu.dma_semaphore, #tpu.memory_space<semaphore_mem>>) {add = true}
      %dma_start3A_332 = arith.constant 0 : i32
      %dma_start3A_333 = tpu.memref_slice %arg23[%dma_start3A_332] : memref<10240xf32, #tpu.memory_space<vmem_shared>> -> memref<10240xf32, #tpu.memory_space<vmem_shared>>
      tpu.enqueue_indirect_dma source(%arg24 : memref<80xf32, #tpu.memory_space<vmem>>) target(%dma_start3A_333 : memref<10240xf32, #tpu.memory_space<vmem_shared>>) offsets(%arg13 : memref<80xi32, #tpu.memory_space<vmem>>) semaphore(%arg28 : memref<!tpu.dma_semaphore, #tpu.memory_space<semaphore_mem>>) {add = true}
      %dma_wait3A_334 = arith.constant 0 : i32
      %dma_wait3A_335 = arith.constant 0 : i32
      %dma_wait3A_336 = tpu.memref_slice %arg6[%dma_wait3A_334, %dma_wait3A_335] : memref<10240x128xf32, #tpu.memory_space<vmem_shared>> -> memref<10240x128xf32, #tpu.memory_space<vmem_shared>>
      tpu.wait_indirect_dma semaphore(%arg18 : memref<!tpu.dma_semaphore, #tpu.memory_space<semaphore_mem>>) src(%arg9 : memref<80x128xf32, #tpu.memory_space<vmem>>) dst(%dma_wait3A_336 : memref<10240x128xf32, #tpu.memory_space<vmem_shared>>)
      %dma_wait3A_337 = arith.constant 0 : i32
      %dma_wait3A_338 = tpu.memref_slice %arg23[%dma_wait3A_337] : memref<10240xf32, #tpu.memory_space<vmem_shared>> -> memref<10240xf32, #tpu.memory_space<vmem_shared>>
      tpu.wait_indirect_dma semaphore(%arg27 : memref<!tpu.dma_semaphore, #tpu.memory_space<semaphore_mem>>) src(%arg24 : memref<80xf32, #tpu.memory_space<vmem>>) dst(%dma_wait3A_338 : memref<10240xf32, #tpu.memory_space<vmem_shared>>)
      %add3A_339 = arith.constant 4 : i32
      %add3A_340 = arith.addi %mul3A_233, %add3A_339 : i32
      %mul3A_341 = arith.constant 80 : i32
      %mul3A_342 = arith.muli %add3A_340, %mul3A_341 : i32
      %add3A_343 = arith.addi %mul3A_6, %mul3A_342 : i32
      %dma_start3A_344 = arith.constant 1 : i32
      %dma_start3A_345 = tpu.memref_slice %arg3[%dma_start3A_344, %add3A_343] : memref<2x320000xi32, #tpu.memory_space<hbm>> -> memref<1x80xi32, #tpu.memory_space<hbm>>
      %dma_start3A_346 = tpu.memref_squeeze %dma_start3A_345 : memref<1x80xi32, #tpu.memory_space<hbm>> -> memref<80xi32, #tpu.memory_space<hbm>>
      %dma_start3A_347 = tpu.memref_slice %arg3[%dma_start3A_344, %add3A_343] : memref<2x320000xi32, #tpu.memory_space<hbm>> -> memref<1x80xi32, #tpu.memory_space<hbm>>
      %dma_start3A_348 = tpu.memref_squeeze %dma_start3A_347 : memref<1x80xi32, #tpu.memory_space<hbm>> -> memref<80xi32, #tpu.memory_space<hbm>>
      tpu.enqueue_dma source(%dma_start3A_348 : memref<80xi32, #tpu.memory_space<hbm>>) target(%arg12 : memref<80xi32, #tpu.memory_space<vmem>>) target_semaphore(%arg21 : memref<!tpu.dma_semaphore, #tpu.memory_space<semaphore_mem>>)
      %mul3A_349 = arith.constant 80 : i32
      %mul3A_350 = arith.muli %add3A_340, %mul3A_349 : i32
      %dma_start3A_351 = tpu.memref_slice %arg7[%mul3A_350] : memref<10000xi32, #tpu.memory_space<vmem>> -> memref<80xi32, #tpu.memory_space<vmem>>
      %dma_start3A_352 = arith.constant 0 : i32
      %dma_start3A_353 = arith.constant 0 : i32
      %dma_start3A_354 = tpu.memref_slice %arg2[%dma_start3A_352, %dma_start3A_353] : memref<10000x128xf32, #tpu.memory_space<hbm>> -> memref<10000x128xf32, #tpu.memory_space<hbm>>
      tpu.enqueue_indirect_dma source(%dma_start3A_354 : memref<10000x128xf32, #tpu.memory_space<hbm>>) target(%arg9 : memref<80x128xf32, #tpu.memory_space<vmem>>) offsets(%dma_start3A_351 : memref<80xi32, #tpu.memory_space<vmem>>) semaphore(%arg15 : memref<!tpu.dma_semaphore, #tpu.memory_space<semaphore_mem>>)
    }
    %scan3A_164 = arith.constant 41 : i32
    %add3A_165 = arith.constant 9840 : i32
    %add3A_166 = arith.addi %mul3A_6, %add3A_165 : i32
    %dma_wait3A_167 = arith.constant 1 : i32
    %dma_wait3A_168 = tpu.memref_slice %arg3[%dma_wait3A_167, %add3A_166] : memref<2x320000xi32, #tpu.memory_space<hbm>> -> memref<1x80xi32, #tpu.memory_space<hbm>>
    %dma_wait3A_169 = tpu.memref_squeeze %dma_wait3A_168 : memref<1x80xi32, #tpu.memory_space<hbm>> -> memref<80xi32, #tpu.memory_space<hbm>>
    %dma_wait3A_170 = tpu.memref_slice %arg3[%dma_wait3A_167, %add3A_166] : memref<2x320000xi32, #tpu.memory_space<hbm>> -> memref<1x80xi32, #tpu.memory_space<hbm>>
    %dma_wait3A_171 = tpu.memref_squeeze %dma_wait3A_170 : memref<1x80xi32, #tpu.memory_space<hbm>> -> memref<80xi32, #tpu.memory_space<hbm>>
    tpu.wait_dma2 semaphore(%arg20 : memref<!tpu.dma_semaphore, #tpu.memory_space<semaphore_mem>>) src(%dma_wait3A_171 : memref<80xi32, #tpu.memory_space<hbm>>) dst(%arg11 : memref<80xi32, #tpu.memory_space<vmem>>)
    %dma_wait3A_172 = arith.constant 9840 : i32
    %dma_wait3A_173 = tpu.memref_slice %arg7[%dma_wait3A_172] : memref<10000xi32, #tpu.memory_space<vmem>> -> memref<80xi32, #tpu.memory_space<vmem>>
    %dma_wait3A_174 = arith.constant 0 : i32
    %dma_wait3A_175 = arith.constant 0 : i32
    %dma_wait3A_176 = tpu.memref_slice %arg2[%dma_wait3A_174, %dma_wait3A_175] : memref<10000x128xf32, #tpu.memory_space<hbm>> -> memref<10000x128xf32, #tpu.memory_space<hbm>>
    tpu.wait_indirect_dma semaphore(%arg14 : memref<!tpu.dma_semaphore, #tpu.memory_space<semaphore_mem>>) src(%dma_wait3A_176 : memref<10000x128xf32, #tpu.memory_space<hbm>>) dst(%arg8 : memref<80x128xf32, #tpu.memory_space<vmem>>)
    %dma_start3A_177 = arith.constant 0 : i32
    %dma_start3A_178 = arith.constant 0 : i32
    %dma_start3A_179 = tpu.memref_slice %arg6[%dma_start3A_177, %dma_start3A_178] : memref<10240x128xf32, #tpu.memory_space<vmem_shared>> -> memref<10240x128xf32, #tpu.memory_space<vmem_shared>>
    tpu.enqueue_indirect_dma source(%arg8 : memref<80x128xf32, #tpu.memory_space<vmem>>) target(%dma_start3A_179 : memref<10240x128xf32, #tpu.memory_space<vmem_shared>>) offsets(%arg11 : memref<80xi32, #tpu.memory_space<vmem>>) semaphore(%arg17 : memref<!tpu.dma_semaphore, #tpu.memory_space<semaphore_mem>>) {add = true}
    %dma_start3A_180 = arith.constant 0 : i32
    %dma_start3A_181 = tpu.memref_slice %arg23[%dma_start3A_180] : memref<10240xf32, #tpu.memory_space<vmem_shared>> -> memref<10240xf32, #tpu.memory_space<vmem_shared>>
    tpu.enqueue_indirect_dma source(%arg24 : memref<80xf32, #tpu.memory_space<vmem>>) target(%dma_start3A_181 : memref<10240xf32, #tpu.memory_space<vmem_shared>>) offsets(%arg11 : memref<80xi32, #tpu.memory_space<vmem>>) semaphore(%arg26 : memref<!tpu.dma_semaphore, #tpu.memory_space<semaphore_mem>>) {add = true}
    %add3A_182 = arith.constant 9920 : i32
    %add3A_183 = arith.addi %mul3A_6, %add3A_182 : i32
    %dma_wait3A_184 = arith.constant 1 : i32
    %dma_wait3A_185 = tpu.memref_slice %arg3[%dma_wait3A_184, %add3A_183] : memref<2x320000xi32, #tpu.memory_space<hbm>> -> memref<1x80xi32, #tpu.memory_space<hbm>>
    %dma_wait3A_186 = tpu.memref_squeeze %dma_wait3A_185 : memref<1x80xi32, #tpu.memory_space<hbm>> -> memref<80xi32, #tpu.memory_space<hbm>>
    %dma_wait3A_187 = tpu.memref_slice %arg3[%dma_wait3A_184, %add3A_183] : memref<2x320000xi32, #tpu.memory_space<hbm>> -> memref<1x80xi32, #tpu.memory_space<hbm>>
    %dma_wait3A_188 = tpu.memref_squeeze %dma_wait3A_187 : memref<1x80xi32, #tpu.memory_space<hbm>> -> memref<80xi32, #tpu.memory_space<hbm>>
    tpu.wait_dma2 semaphore(%arg21 : memref<!tpu.dma_semaphore, #tpu.memory_space<semaphore_mem>>) src(%dma_wait3A_188 : memref<80xi32, #tpu.memory_space<hbm>>) dst(%arg12 : memref<80xi32, #tpu.memory_space<vmem>>)
    %dma_wait3A_189 = arith.constant 9920 : i32
    %dma_wait3A_190 = tpu.memref_slice %arg7[%dma_wait3A_189] : memref<10000xi32, #tpu.memory_space<vmem>> -> memref<80xi32, #tpu.memory_space<vmem>>
    %dma_wait3A_191 = arith.constant 0 : i32
    %dma_wait3A_192 = arith.constant 0 : i32
    %dma_wait3A_193 = tpu.memref_slice %arg2[%dma_wait3A_191, %dma_wait3A_192] : memref<10000x128xf32, #tpu.memory_space<hbm>> -> memref<10000x128xf32, #tpu.memory_space<hbm>>
    tpu.wait_indirect_dma semaphore(%arg15 : memref<!tpu.dma_semaphore, #tpu.memory_space<semaphore_mem>>) src(%dma_wait3A_193 : memref<10000x128xf32, #tpu.memory_space<hbm>>) dst(%arg9 : memref<80x128xf32, #tpu.memory_space<vmem>>)
    %dma_start3A_194 = arith.constant 0 : i32
    %dma_start3A_195 = arith.constant 0 : i32
    %dma_start3A_196 = tpu.memref_slice %arg6[%dma_start3A_194, %dma_start3A_195] : memref<10240x128xf32, #tpu.memory_space<vmem_shared>> -> memref<10240x128xf32, #tpu.memory_space<vmem_shared>>
    tpu.enqueue_indirect_dma source(%arg9 : memref<80x128xf32, #tpu.memory_space<vmem>>) target(%dma_start3A_196 : memref<10240x128xf32, #tpu.memory_space<vmem_shared>>) offsets(%arg12 : memref<80xi32, #tpu.memory_space<vmem>>) semaphore(%arg18 : memref<!tpu.dma_semaphore, #tpu.memory_space<semaphore_mem>>) {add = true}
    %dma_start3A_197 = arith.constant 0 : i32
    %dma_start3A_198 = tpu.memref_slice %arg23[%dma_start3A_197] : memref<10240xf32, #tpu.memory_space<vmem_shared>> -> memref<10240xf32, #tpu.memory_space<vmem_shared>>
    tpu.enqueue_indirect_dma source(%arg24 : memref<80xf32, #tpu.memory_space<vmem>>) target(%dma_start3A_198 : memref<10240xf32, #tpu.memory_space<vmem_shared>>) offsets(%arg12 : memref<80xi32, #tpu.memory_space<vmem>>) semaphore(%arg27 : memref<!tpu.dma_semaphore, #tpu.memory_space<semaphore_mem>>) {add = true}
    %dma_wait3A_199 = arith.constant 0 : i32
    %dma_wait3A_200 = arith.constant 0 : i32
    %dma_wait3A_201 = tpu.memref_slice %arg6[%dma_wait3A_199, %dma_wait3A_200] : memref<10240x128xf32, #tpu.memory_space<vmem_shared>> -> memref<10240x128xf32, #tpu.memory_space<vmem_shared>>
    tpu.wait_indirect_dma semaphore(%arg19 : memref<!tpu.dma_semaphore, #tpu.memory_space<semaphore_mem>>) src(%arg10 : memref<80x128xf32, #tpu.memory_space<vmem>>) dst(%dma_wait3A_201 : memref<10240x128xf32, #tpu.memory_space<vmem_shared>>)
    %dma_wait3A_202 = arith.constant 0 : i32
    %dma_wait3A_203 = tpu.memref_slice %arg23[%dma_wait3A_202] : memref<10240xf32, #tpu.memory_space<vmem_shared>> -> memref<10240xf32, #tpu.memory_space<vmem_shared>>
    tpu.wait_indirect_dma semaphore(%arg28 : memref<!tpu.dma_semaphore, #tpu.memory_space<semaphore_mem>>) src(%arg24 : memref<80xf32, #tpu.memory_space<vmem>>) dst(%dma_wait3A_203 : memref<10240xf32, #tpu.memory_space<vmem_shared>>)
    %dma_wait3A_204 = arith.constant 0 : i32
    %dma_wait3A_205 = arith.constant 0 : i32
    %dma_wait3A_206 = tpu.memref_slice %arg6[%dma_wait3A_204, %dma_wait3A_205] : memref<10240x128xf32, #tpu.memory_space<vmem_shared>> -> memref<10240x128xf32, #tpu.memory_space<vmem_shared>>
    tpu.wait_indirect_dma semaphore(%arg17 : memref<!tpu.dma_semaphore, #tpu.memory_space<semaphore_mem>>) src(%arg8 : memref<80x128xf32, #tpu.memory_space<vmem>>) dst(%dma_wait3A_206 : memref<10240x128xf32, #tpu.memory_space<vmem_shared>>)
    %dma_wait3A_207 = arith.constant 0 : i32
    %dma_wait3A_208 = tpu.memref_slice %arg23[%dma_wait3A_207] : memref<10240xf32, #tpu.memory_space<vmem_shared>> -> memref<10240xf32, #tpu.memory_space<vmem_shared>>
    tpu.wait_indirect_dma semaphore(%arg26 : memref<!tpu.dma_semaphore, #tpu.memory_space<semaphore_mem>>) src(%arg24 : memref<80xf32, #tpu.memory_space<vmem>>) dst(%dma_wait3A_208 : memref<10240xf32, #tpu.memory_space<vmem_shared>>)
    %dma_wait3A_209 = arith.constant 0 : i32
    %dma_wait3A_210 = arith.constant 0 : i32
    %dma_wait3A_211 = tpu.memref_slice %arg6[%dma_wait3A_209, %dma_wait3A_210] : memref<10240x128xf32, #tpu.memory_space<vmem_shared>> -> memref<10240x128xf32, #tpu.memory_space<vmem_shared>>
    tpu.wait_indirect_dma semaphore(%arg18 : memref<!tpu.dma_semaphore, #tpu.memory_space<semaphore_mem>>) src(%arg9 : memref<80x128xf32, #tpu.memory_space<vmem>>) dst(%dma_wait3A_211 : memref<10240x128xf32, #tpu.memory_space<vmem_shared>>)
    %dma_wait3A_212 = arith.constant 0 : i32
    %dma_wait3A_213 = tpu.memref_slice %arg23[%dma_wait3A_212] : memref<10240xf32, #tpu.memory_space<vmem_shared>> -> memref<10240xf32, #tpu.memory_space<vmem_shared>>
    tpu.wait_indirect_dma semaphore(%arg27 : memref<!tpu.dma_semaphore, #tpu.memory_space<semaphore_mem>>) src(%arg24 : memref<80xf32, #tpu.memory_space<vmem>>) dst(%dma_wait3A_213 : memref<10240xf32, #tpu.memory_space<vmem_shared>>)
    %barrier3A_214 = arith.constant 0 : index
    tpu.barrier barrier_id(%barrier3A_214)
    %dma_start3A_215 = arith.constant 0 : i32
    %dma_start3A_216 = tpu.memref_slice %arg4[%arg0, %mul3A_2, %dma_start3A_215] : memref<2x10240x128xf32, #tpu.memory_space<hbm>> -> memref<1x640x128xf32, #tpu.memory_space<hbm>>
    %dma_start3A_217 = tpu.memref_squeeze %dma_start3A_216 : memref<1x640x128xf32, #tpu.memory_space<hbm>> -> memref<640x128xf32, #tpu.memory_space<hbm>>
    %dma_start3A_218 = arith.constant 0 : i32
    %dma_start3A_219 = tpu.memref_slice %arg6[%mul3A_2, %dma_start3A_218] : memref<10240x128xf32, #tpu.memory_space<vmem_shared>> -> memref<640x128xf32, #tpu.memory_space<vmem_shared>>
    tpu.enqueue_dma source(%dma_start3A_219 : memref<640x128xf32, #tpu.memory_space<vmem_shared>>) target(%dma_start3A_217 : memref<640x128xf32, #tpu.memory_space<hbm>>) target_semaphore(%arg17 : memref<!tpu.dma_semaphore, #tpu.memory_space<semaphore_mem>>)
    %dma_start3A_220 = tpu.memref_slice %arg5[%arg0, %mul3A_2] : memref<2x10240xf32, #tpu.memory_space<hbm>> -> memref<1x640xf32, #tpu.memory_space<hbm>>
    %dma_start3A_221 = tpu.memref_squeeze %dma_start3A_220 : memref<1x640xf32, #tpu.memory_space<hbm>> -> memref<640xf32, #tpu.memory_space<hbm>>
    %dma_start3A_222 = tpu.memref_slice %arg23[%mul3A_2] : memref<10240xf32, #tpu.memory_space<vmem_shared>> -> memref<640xf32, #tpu.memory_space<vmem_shared>>
    tpu.enqueue_dma source(%dma_start3A_222 : memref<640xf32, #tpu.memory_space<vmem_shared>>) target(%dma_start3A_221 : memref<640xf32, #tpu.memory_space<hbm>>) target_semaphore(%arg26 : memref<!tpu.dma_semaphore, #tpu.memory_space<semaphore_mem>>)
    %dma_wait3A_223 = tpu.memref_slice %arg5[%arg0, %mul3A_2] : memref<2x10240xf32, #tpu.memory_space<hbm>> -> memref<1x640xf32, #tpu.memory_space<hbm>>
    %dma_wait3A_224 = tpu.memref_squeeze %dma_wait3A_223 : memref<1x640xf32, #tpu.memory_space<hbm>> -> memref<640xf32, #tpu.memory_space<hbm>>
    %dma_wait3A_225 = tpu.memref_slice %arg23[%mul3A_2] : memref<10240xf32, #tpu.memory_space<vmem_shared>> -> memref<640xf32, #tpu.memory_space<vmem_shared>>
    tpu.wait_dma2 semaphore(%arg26 : memref<!tpu.dma_semaphore, #tpu.memory_space<semaphore_mem>>) src(%dma_wait3A_225 : memref<640xf32, #tpu.memory_space<vmem_shared>>) dst(%dma_wait3A_224 : memref<640xf32, #tpu.memory_space<hbm>>)
    %dma_wait3A_226 = arith.constant 0 : i32
    %dma_wait3A_227 = tpu.memref_slice %arg4[%arg0, %mul3A_2, %dma_wait3A_226] : memref<2x10240x128xf32, #tpu.memory_space<hbm>> -> memref<1x640x128xf32, #tpu.memory_space<hbm>>
    %dma_wait3A_228 = tpu.memref_squeeze %dma_wait3A_227 : memref<1x640x128xf32, #tpu.memory_space<hbm>> -> memref<640x128xf32, #tpu.memory_space<hbm>>
    %dma_wait3A_229 = arith.constant 0 : i32
    %dma_wait3A_230 = tpu.memref_slice %arg6[%mul3A_2, %dma_wait3A_229] : memref<10240x128xf32, #tpu.memory_space<vmem_shared>> -> memref<640x128xf32, #tpu.memory_space<vmem_shared>>
    tpu.wait_dma2 semaphore(%arg17 : memref<!tpu.dma_semaphore, #tpu.memory_space<semaphore_mem>>) src(%dma_wait3A_230 : memref<640x128xf32, #tpu.memory_space<vmem_shared>>) dst(%dma_wait3A_228 : memref<640x128xf32, #tpu.memory_space<hbm>>)
    return
  }
}

#map = affine_map<(d0, d1) -> (0, 0)>
#map1 = affine_map<(d0, d1) -> (0, 0, 0)>
module attributes {stable_mosaic.version = 14 : i64} {
  func.func @body(%arg0: i32, %arg1: i32, %arg2: memref<10000x128xf32, #tpu.memory_space<hbm>>, %arg3: memref<2x320000xi32, #tpu.memory_space<hbm>>, %arg4: memref<2x10240x128xf32, #tpu.memory_space<hbm>>, %arg5: memref<10240x128xf32, #tpu.memory_space<vmem_shared>>, %arg6: memref<10000xi32, #tpu.memory_space<vmem>>, %arg7: memref<80x128xf32, #tpu.memory_space<vmem>>, %arg8: memref<80x128xf32, #tpu.memory_space<vmem>>, %arg9: memref<80x128xf32, #tpu.memory_space<vmem>>, %arg10: memref<80xi32, #tpu.memory_space<vmem>>, %arg11: memref<80xi32, #tpu.memory_space<vmem>>, %arg12: memref<80xi32, #tpu.memory_space<vmem>>, %arg13: memref<!tpu.dma_semaphore, #tpu.memory_space<semaphore_mem>>, %arg14: memref<!tpu.dma_semaphore, #tpu.memory_space<semaphore_mem>>, %arg15: memref<!tpu.dma_semaphore, #tpu.memory_space<semaphore_mem>>, %arg16: memref<!tpu.dma_semaphore, #tpu.memory_space<semaphore_mem>>, %arg17: memref<!tpu.dma_semaphore, #tpu.memory_space<semaphore_mem>>, %arg18: memref<!tpu.dma_semaphore, #tpu.memory_space<semaphore_mem>>, %arg19: memref<!tpu.dma_semaphore, #tpu.memory_space<semaphore_mem>>, %arg20: memref<!tpu.dma_semaphore, #tpu.memory_space<semaphore_mem>>, %arg21: memref<!tpu.dma_semaphore, #tpu.memory_space<semaphore_mem>>) attributes {dimension_semantics = [#tpu.dimension_semantics<core_parallel>, #tpu.dimension_semantics<subcore_parallel>], iteration_bounds = array<i64: 2, 16>, scalar_prefetch = 0 : i64, scratch_operands = 17 : i64, tpu.core_type = #tpu.core_type<sc_vector_subcore>, window_params = [{transform_indices = #map}, {transform_indices = #map}, {transform_indices = #map1}]} {
    %mul3A = arith.constant 2 : i32
    %mul3A_0 = arith.muli %arg1, %mul3A : i32
    %add3A = arith.addi %mul3A_0, %arg0 : i32
    %mul3A_1 = arith.constant 640 : i32
    %mul3A_2 = arith.muli %arg1, %mul3A_1 : i32
    %mul3A_3 = arith.constant 125 : i32
    %mul3A_4 = arith.muli %add3A, %mul3A_3 : i32
    %mul3A_5 = arith.constant 80 : i32
    %mul3A_6 = arith.muli %mul3A_4, %mul3A_5 : i32
    %dma_start3A = arith.constant 0 : i32
    %dma_start3A_7 = tpu.memref_slice %arg3[%dma_start3A, %mul3A_6] : memref<2x320000xi32, #tpu.memory_space<hbm>> -> memref<1x10000xi32, #tpu.memory_space<hbm>>
    %dma_start3A_8 = tpu.memref_squeeze %dma_start3A_7 : memref<1x10000xi32, #tpu.memory_space<hbm>> -> memref<10000xi32, #tpu.memory_space<hbm>>
    %dma_start3A_9 = tpu.memref_slice %arg3[%dma_start3A, %mul3A_6] : memref<2x320000xi32, #tpu.memory_space<hbm>> -> memref<1x10000xi32, #tpu.memory_space<hbm>>
    %dma_start3A_10 = tpu.memref_squeeze %dma_start3A_9 : memref<1x10000xi32, #tpu.memory_space<hbm>> -> memref<10000xi32, #tpu.memory_space<hbm>>
    tpu.enqueue_dma source(%dma_start3A_10 : memref<10000xi32, #tpu.memory_space<hbm>>) target(%arg6 : memref<10000xi32, #tpu.memory_space<vmem>>) target_semaphore(%arg21 : memref<!tpu.dma_semaphore, #tpu.memory_space<semaphore_mem>>)
    %broadcast_in_dim3A = arith.constant 0.000000e+00 : f32
    %broadcast_in_dim3A_11 = vector.broadcast %broadcast_in_dim3A : f32 to vector<16xf32>
    %scan3A = arith.constant 0 : i32
    %scan3A_12 = arith.constant 0 : i32
    %scan3A_13 = arith.constant 80 : i32
    %scan3A_14 = arith.addi %scan3A_12, %scan3A_13 : i32
    %scan3A_15 = arith.constant 1 : i32
    scf.for %scan3A_197 = %scan3A_12 to %scan3A_14 step %scan3A_15  : i32 {
      %swap3A = arith.index_cast %scan3A_197 : i32 to index
      %swap3A_198 = arith.constant 0 : index
      %swap3A_199 = tpu.vector_load %arg7[%swap3A, %swap3A_198] {strides = array<i32>} : memref<80x128xf32, #tpu.memory_space<vmem>>, vector<1x16xf32>,
      %swap3A_200 = vector.shape_cast %swap3A_199 : vector<1x16xf32> to vector<16xf32>
      %swap3A_201 = vector.shape_cast %broadcast_in_dim3A_11 : vector<16xf32> to vector<1x16xf32>
      tpu.vector_store %arg7[%swap3A, %swap3A_198], %swap3A_201 {strides = array<i32>} : memref<80x128xf32, #tpu.memory_space<vmem>>, vector<1x16xf32>,
      %swap3A_202 = arith.index_cast %scan3A_197 : i32 to index
      %swap3A_203 = arith.constant 16 : index
      %swap3A_204 = tpu.vector_load %arg7[%swap3A_202, %swap3A_203] {strides = array<i32>} : memref<80x128xf32, #tpu.memory_space<vmem>>, vector<1x16xf32>,
      %swap3A_205 = vector.shape_cast %swap3A_204 : vector<1x16xf32> to vector<16xf32>
      %swap3A_206 = vector.shape_cast %broadcast_in_dim3A_11 : vector<16xf32> to vector<1x16xf32>
      tpu.vector_store %arg7[%swap3A_202, %swap3A_203], %swap3A_206 {strides = array<i32>} : memref<80x128xf32, #tpu.memory_space<vmem>>, vector<1x16xf32>,
      %swap3A_207 = arith.index_cast %scan3A_197 : i32 to index
      %swap3A_208 = arith.constant 32 : index
      %swap3A_209 = tpu.vector_load %arg7[%swap3A_207, %swap3A_208] {strides = array<i32>} : memref<80x128xf32, #tpu.memory_space<vmem>>, vector<1x16xf32>,
      %swap3A_210 = vector.shape_cast %swap3A_209 : vector<1x16xf32> to vector<16xf32>
      %swap3A_211 = vector.shape_cast %broadcast_in_dim3A_11 : vector<16xf32> to vector<1x16xf32>
      tpu.vector_store %arg7[%swap3A_207, %swap3A_208], %swap3A_211 {strides = array<i32>} : memref<80x128xf32, #tpu.memory_space<vmem>>, vector<1x16xf32>,
      %swap3A_212 = arith.index_cast %scan3A_197 : i32 to index
      %swap3A_213 = arith.constant 48 : index
      %swap3A_214 = tpu.vector_load %arg7[%swap3A_212, %swap3A_213] {strides = array<i32>} : memref<80x128xf32, #tpu.memory_space<vmem>>, vector<1x16xf32>,
      %swap3A_215 = vector.shape_cast %swap3A_214 : vector<1x16xf32> to vector<16xf32>
      %swap3A_216 = vector.shape_cast %broadcast_in_dim3A_11 : vector<16xf32> to vector<1x16xf32>
      tpu.vector_store %arg7[%swap3A_212, %swap3A_213], %swap3A_216 {strides = array<i32>} : memref<80x128xf32, #tpu.memory_space<vmem>>, vector<1x16xf32>,
      %swap3A_217 = arith.index_cast %scan3A_197 : i32 to index
      %swap3A_218 = arith.constant 64 : index
      %swap3A_219 = tpu.vector_load %arg7[%swap3A_217, %swap3A_218] {strides = array<i32>} : memref<80x128xf32, #tpu.memory_space<vmem>>, vector<1x16xf32>,
      %swap3A_220 = vector.shape_cast %swap3A_219 : vector<1x16xf32> to vector<16xf32>
      %swap3A_221 = vector.shape_cast %broadcast_in_dim3A_11 : vector<16xf32> to vector<1x16xf32>
      tpu.vector_store %arg7[%swap3A_217, %swap3A_218], %swap3A_221 {strides = array<i32>} : memref<80x128xf32, #tpu.memory_space<vmem>>, vector<1x16xf32>,
      %swap3A_222 = arith.index_cast %scan3A_197 : i32 to index
      %swap3A_223 = arith.constant 80 : index
      %swap3A_224 = tpu.vector_load %arg7[%swap3A_222, %swap3A_223] {strides = array<i32>} : memref<80x128xf32, #tpu.memory_space<vmem>>, vector<1x16xf32>,
      %swap3A_225 = vector.shape_cast %swap3A_224 : vector<1x16xf32> to vector<16xf32>
      %swap3A_226 = vector.shape_cast %broadcast_in_dim3A_11 : vector<16xf32> to vector<1x16xf32>
      tpu.vector_store %arg7[%swap3A_222, %swap3A_223], %swap3A_226 {strides = array<i32>} : memref<80x128xf32, #tpu.memory_space<vmem>>, vector<1x16xf32>,
      %swap3A_227 = arith.index_cast %scan3A_197 : i32 to index
      %swap3A_228 = arith.constant 96 : index
      %swap3A_229 = tpu.vector_load %arg7[%swap3A_227, %swap3A_228] {strides = array<i32>} : memref<80x128xf32, #tpu.memory_space<vmem>>, vector<1x16xf32>,
      %swap3A_230 = vector.shape_cast %swap3A_229 : vector<1x16xf32> to vector<16xf32>
      %swap3A_231 = vector.shape_cast %broadcast_in_dim3A_11 : vector<16xf32> to vector<1x16xf32>
      tpu.vector_store %arg7[%swap3A_227, %swap3A_228], %swap3A_231 {strides = array<i32>} : memref<80x128xf32, #tpu.memory_space<vmem>>, vector<1x16xf32>,
      %swap3A_232 = arith.index_cast %scan3A_197 : i32 to index
      %swap3A_233 = arith.constant 112 : index
      %swap3A_234 = tpu.vector_load %arg7[%swap3A_232, %swap3A_233] {strides = array<i32>} : memref<80x128xf32, #tpu.memory_space<vmem>>, vector<1x16xf32>,
      %swap3A_235 = vector.shape_cast %swap3A_234 : vector<1x16xf32> to vector<16xf32>
      %swap3A_236 = vector.shape_cast %broadcast_in_dim3A_11 : vector<16xf32> to vector<1x16xf32>
      tpu.vector_store %arg7[%swap3A_232, %swap3A_233], %swap3A_236 {strides = array<i32>} : memref<80x128xf32, #tpu.memory_space<vmem>>, vector<1x16xf32>,
    }
    %scan3A_16 = arith.constant 80 : i32
    %add3A_17 = arith.constant 0 : i32
    %add3A_18 = arith.addi %mul3A_2, %add3A_17 : i32
    %dma_start3A_19 = arith.constant 0 : i32
    %dma_start3A_20 = tpu.memref_slice %arg5[%add3A_18, %dma_start3A_19] : memref<10240x128xf32, #tpu.memory_space<vmem_shared>> -> memref<80x128xf32, #tpu.memory_space<vmem_shared>>
    %dma_start3A_21 = arith.constant 0 : i32
    %dma_start3A_22 = tpu.memref_slice %arg5[%add3A_18, %dma_start3A_21] : memref<10240x128xf32, #tpu.memory_space<vmem_shared>> -> memref<80x128xf32, #tpu.memory_space<vmem_shared>>
    tpu.enqueue_dma source(%arg7 : memref<80x128xf32, #tpu.memory_space<vmem>>) target(%dma_start3A_22 : memref<80x128xf32, #tpu.memory_space<vmem_shared>>) target_semaphore(%arg16 : memref<!tpu.dma_semaphore, #tpu.memory_space<semaphore_mem>>)
    %add3A_23 = arith.constant 80 : i32
    %add3A_24 = arith.addi %mul3A_2, %add3A_23 : i32
    %dma_start3A_25 = arith.constant 0 : i32
    %dma_start3A_26 = tpu.memref_slice %arg5[%add3A_24, %dma_start3A_25] : memref<10240x128xf32, #tpu.memory_space<vmem_shared>> -> memref<80x128xf32, #tpu.memory_space<vmem_shared>>
    %dma_start3A_27 = arith.constant 0 : i32
    %dma_start3A_28 = tpu.memref_slice %arg5[%add3A_24, %dma_start3A_27] : memref<10240x128xf32, #tpu.memory_space<vmem_shared>> -> memref<80x128xf32, #tpu.memory_space<vmem_shared>>
    tpu.enqueue_dma source(%arg7 : memref<80x128xf32, #tpu.memory_space<vmem>>) target(%dma_start3A_28 : memref<80x128xf32, #tpu.memory_space<vmem_shared>>) target_semaphore(%arg17 : memref<!tpu.dma_semaphore, #tpu.memory_space<semaphore_mem>>)
    %add3A_29 = arith.constant 160 : i32
    %add3A_30 = arith.addi %mul3A_2, %add3A_29 : i32
    %dma_start3A_31 = arith.constant 0 : i32
    %dma_start3A_32 = tpu.memref_slice %arg5[%add3A_30, %dma_start3A_31] : memref<10240x128xf32, #tpu.memory_space<vmem_shared>> -> memref<80x128xf32, #tpu.memory_space<vmem_shared>>
    %dma_start3A_33 = arith.constant 0 : i32
    %dma_start3A_34 = tpu.memref_slice %arg5[%add3A_30, %dma_start3A_33] : memref<10240x128xf32, #tpu.memory_space<vmem_shared>> -> memref<80x128xf32, #tpu.memory_space<vmem_shared>>
    tpu.enqueue_dma source(%arg7 : memref<80x128xf32, #tpu.memory_space<vmem>>) target(%dma_start3A_34 : memref<80x128xf32, #tpu.memory_space<vmem_shared>>) target_semaphore(%arg18 : memref<!tpu.dma_semaphore, #tpu.memory_space<semaphore_mem>>)
    %add3A_35 = arith.constant 240 : i32
    %add3A_36 = arith.addi %mul3A_2, %add3A_35 : i32
    %dma_start3A_37 = arith.constant 0 : i32
    %dma_start3A_38 = tpu.memref_slice %arg5[%add3A_36, %dma_start3A_37] : memref<10240x128xf32, #tpu.memory_space<vmem_shared>> -> memref<80x128xf32, #tpu.memory_space<vmem_shared>>
    %dma_start3A_39 = arith.constant 0 : i32
    %dma_start3A_40 = tpu.memref_slice %arg5[%add3A_36, %dma_start3A_39] : memref<10240x128xf32, #tpu.memory_space<vmem_shared>> -> memref<80x128xf32, #tpu.memory_space<vmem_shared>>
    tpu.enqueue_dma source(%arg7 : memref<80x128xf32, #tpu.memory_space<vmem>>) target(%dma_start3A_40 : memref<80x128xf32, #tpu.memory_space<vmem_shared>>) target_semaphore(%arg16 : memref<!tpu.dma_semaphore, #tpu.memory_space<semaphore_mem>>)
    %add3A_41 = arith.constant 320 : i32
    %add3A_42 = arith.addi %mul3A_2, %add3A_41 : i32
    %dma_start3A_43 = arith.constant 0 : i32
    %dma_start3A_44 = tpu.memref_slice %arg5[%add3A_42, %dma_start3A_43] : memref<10240x128xf32, #tpu.memory_space<vmem_shared>> -> memref<80x128xf32, #tpu.memory_space<vmem_shared>>
    %dma_start3A_45 = arith.constant 0 : i32
    %dma_start3A_46 = tpu.memref_slice %arg5[%add3A_42, %dma_start3A_45] : memref<10240x128xf32, #tpu.memory_space<vmem_shared>> -> memref<80x128xf32, #tpu.memory_space<vmem_shared>>
    tpu.enqueue_dma source(%arg7 : memref<80x128xf32, #tpu.memory_space<vmem>>) target(%dma_start3A_46 : memref<80x128xf32, #tpu.memory_space<vmem_shared>>) target_semaphore(%arg17 : memref<!tpu.dma_semaphore, #tpu.memory_space<semaphore_mem>>)
    %add3A_47 = arith.constant 400 : i32
    %add3A_48 = arith.addi %mul3A_2, %add3A_47 : i32
    %dma_start3A_49 = arith.constant 0 : i32
    %dma_start3A_50 = tpu.memref_slice %arg5[%add3A_48, %dma_start3A_49] : memref<10240x128xf32, #tpu.memory_space<vmem_shared>> -> memref<80x128xf32, #tpu.memory_space<vmem_shared>>
    %dma_start3A_51 = arith.constant 0 : i32
    %dma_start3A_52 = tpu.memref_slice %arg5[%add3A_48, %dma_start3A_51] : memref<10240x128xf32, #tpu.memory_space<vmem_shared>> -> memref<80x128xf32, #tpu.memory_space<vmem_shared>>
    tpu.enqueue_dma source(%arg7 : memref<80x128xf32, #tpu.memory_space<vmem>>) target(%dma_start3A_52 : memref<80x128xf32, #tpu.memory_space<vmem_shared>>) target_semaphore(%arg18 : memref<!tpu.dma_semaphore, #tpu.memory_space<semaphore_mem>>)
    %add3A_53 = arith.constant 480 : i32
    %add3A_54 = arith.addi %mul3A_2, %add3A_53 : i32
    %dma_start3A_55 = arith.constant 0 : i32
    %dma_start3A_56 = tpu.memref_slice %arg5[%add3A_54, %dma_start3A_55] : memref<10240x128xf32, #tpu.memory_space<vmem_shared>> -> memref<80x128xf32, #tpu.memory_space<vmem_shared>>
    %dma_start3A_57 = arith.constant 0 : i32
    %dma_start3A_58 = tpu.memref_slice %arg5[%add3A_54, %dma_start3A_57] : memref<10240x128xf32, #tpu.memory_space<vmem_shared>> -> memref<80x128xf32, #tpu.memory_space<vmem_shared>>
    tpu.enqueue_dma source(%arg7 : memref<80x128xf32, #tpu.memory_space<vmem>>) target(%dma_start3A_58 : memref<80x128xf32, #tpu.memory_space<vmem_shared>>) target_semaphore(%arg16 : memref<!tpu.dma_semaphore, #tpu.memory_space<semaphore_mem>>)
    %add3A_59 = arith.constant 560 : i32
    %add3A_60 = arith.addi %mul3A_2, %add3A_59 : i32
    %dma_start3A_61 = arith.constant 0 : i32
    %dma_start3A_62 = tpu.memref_slice %arg5[%add3A_60, %dma_start3A_61] : memref<10240x128xf32, #tpu.memory_space<vmem_shared>> -> memref<80x128xf32, #tpu.memory_space<vmem_shared>>
    %dma_start3A_63 = arith.constant 0 : i32
    %dma_start3A_64 = tpu.memref_slice %arg5[%add3A_60, %dma_start3A_63] : memref<10240x128xf32, #tpu.memory_space<vmem_shared>> -> memref<80x128xf32, #tpu.memory_space<vmem_shared>>
    tpu.enqueue_dma source(%arg7 : memref<80x128xf32, #tpu.memory_space<vmem>>) target(%dma_start3A_64 : memref<80x128xf32, #tpu.memory_space<vmem_shared>>) target_semaphore(%arg17 : memref<!tpu.dma_semaphore, #tpu.memory_space<semaphore_mem>>)
    %add3A_65 = arith.constant 0 : i32
    %add3A_66 = arith.addi %mul3A_2, %add3A_65 : i32
    %dma_wait3A = arith.constant 0 : i32
    %dma_wait3A_67 = tpu.memref_slice %arg5[%add3A_66, %dma_wait3A] : memref<10240x128xf32, #tpu.memory_space<vmem_shared>> -> memref<80x128xf32, #tpu.memory_space<vmem_shared>>
    %dma_wait3A_68 = arith.constant 0 : i32
    %dma_wait3A_69 = tpu.memref_slice %arg5[%add3A_66, %dma_wait3A_68] : memref<10240x128xf32, #tpu.memory_space<vmem_shared>> -> memref<80x128xf32, #tpu.memory_space<vmem_shared>>
    tpu.wait_dma2 semaphore(%arg16 : memref<!tpu.dma_semaphore, #tpu.memory_space<semaphore_mem>>) src(%arg7 : memref<80x128xf32, #tpu.memory_space<vmem>>) dst(%dma_wait3A_69 : memref<80x128xf32, #tpu.memory_space<vmem_shared>>)
    %add3A_70 = arith.constant 80 : i32
    %add3A_71 = arith.addi %mul3A_2, %add3A_70 : i32
    %dma_wait3A_72 = arith.constant 0 : i32
    %dma_wait3A_73 = tpu.memref_slice %arg5[%add3A_71, %dma_wait3A_72] : memref<10240x128xf32, #tpu.memory_space<vmem_shared>> -> memref<80x128xf32, #tpu.memory_space<vmem_shared>>
    %dma_wait3A_74 = arith.constant 0 : i32
    %dma_wait3A_75 = tpu.memref_slice %arg5[%add3A_71, %dma_wait3A_74] : memref<10240x128xf32, #tpu.memory_space<vmem_shared>> -> memref<80x128xf32, #tpu.memory_space<vmem_shared>>
    tpu.wait_dma2 semaphore(%arg17 : memref<!tpu.dma_semaphore, #tpu.memory_space<semaphore_mem>>) src(%arg7 : memref<80x128xf32, #tpu.memory_space<vmem>>) dst(%dma_wait3A_75 : memref<80x128xf32, #tpu.memory_space<vmem_shared>>)
    %add3A_76 = arith.constant 160 : i32
    %add3A_77 = arith.addi %mul3A_2, %add3A_76 : i32
    %dma_wait3A_78 = arith.constant 0 : i32
    %dma_wait3A_79 = tpu.memref_slice %arg5[%add3A_77, %dma_wait3A_78] : memref<10240x128xf32, #tpu.memory_space<vmem_shared>> -> memref<80x128xf32, #tpu.memory_space<vmem_shared>>
    %dma_wait3A_80 = arith.constant 0 : i32
    %dma_wait3A_81 = tpu.memref_slice %arg5[%add3A_77, %dma_wait3A_80] : memref<10240x128xf32, #tpu.memory_space<vmem_shared>> -> memref<80x128xf32, #tpu.memory_space<vmem_shared>>
    tpu.wait_dma2 semaphore(%arg18 : memref<!tpu.dma_semaphore, #tpu.memory_space<semaphore_mem>>) src(%arg7 : memref<80x128xf32, #tpu.memory_space<vmem>>) dst(%dma_wait3A_81 : memref<80x128xf32, #tpu.memory_space<vmem_shared>>)
    %add3A_82 = arith.constant 240 : i32
    %add3A_83 = arith.addi %mul3A_2, %add3A_82 : i32
    %dma_wait3A_84 = arith.constant 0 : i32
    %dma_wait3A_85 = tpu.memref_slice %arg5[%add3A_83, %dma_wait3A_84] : memref<10240x128xf32, #tpu.memory_space<vmem_shared>> -> memref<80x128xf32, #tpu.memory_space<vmem_shared>>
    %dma_wait3A_86 = arith.constant 0 : i32
    %dma_wait3A_87 = tpu.memref_slice %arg5[%add3A_83, %dma_wait3A_86] : memref<10240x128xf32, #tpu.memory_space<vmem_shared>> -> memref<80x128xf32, #tpu.memory_space<vmem_shared>>
    tpu.wait_dma2 semaphore(%arg16 : memref<!tpu.dma_semaphore, #tpu.memory_space<semaphore_mem>>) src(%arg7 : memref<80x128xf32, #tpu.memory_space<vmem>>) dst(%dma_wait3A_87 : memref<80x128xf32, #tpu.memory_space<vmem_shared>>)
    %add3A_88 = arith.constant 320 : i32
    %add3A_89 = arith.addi %mul3A_2, %add3A_88 : i32
    %dma_wait3A_90 = arith.constant 0 : i32
    %dma_wait3A_91 = tpu.memref_slice %arg5[%add3A_89, %dma_wait3A_90] : memref<10240x128xf32, #tpu.memory_space<vmem_shared>> -> memref<80x128xf32, #tpu.memory_space<vmem_shared>>
    %dma_wait3A_92 = arith.constant 0 : i32
    %dma_wait3A_93 = tpu.memref_slice %arg5[%add3A_89, %dma_wait3A_92] : memref<10240x128xf32, #tpu.memory_space<vmem_shared>> -> memref<80x128xf32, #tpu.memory_space<vmem_shared>>
    tpu.wait_dma2 semaphore(%arg17 : memref<!tpu.dma_semaphore, #tpu.memory_space<semaphore_mem>>) src(%arg7 : memref<80x128xf32, #tpu.memory_space<vmem>>) dst(%dma_wait3A_93 : memref<80x128xf32, #tpu.memory_space<vmem_shared>>)
    %add3A_94 = arith.constant 400 : i32
    %add3A_95 = arith.addi %mul3A_2, %add3A_94 : i32
    %dma_wait3A_96 = arith.constant 0 : i32
    %dma_wait3A_97 = tpu.memref_slice %arg5[%add3A_95, %dma_wait3A_96] : memref<10240x128xf32, #tpu.memory_space<vmem_shared>> -> memref<80x128xf32, #tpu.memory_space<vmem_shared>>
    %dma_wait3A_98 = arith.constant 0 : i32
    %dma_wait3A_99 = tpu.memref_slice %arg5[%add3A_95, %dma_wait3A_98] : memref<10240x128xf32, #tpu.memory_space<vmem_shared>> -> memref<80x128xf32, #tpu.memory_space<vmem_shared>>
    tpu.wait_dma2 semaphore(%arg18 : memref<!tpu.dma_semaphore, #tpu.memory_space<semaphore_mem>>) src(%arg7 : memref<80x128xf32, #tpu.memory_space<vmem>>) dst(%dma_wait3A_99 : memref<80x128xf32, #tpu.memory_space<vmem_shared>>)
    %add3A_100 = arith.constant 480 : i32
    %add3A_101 = arith.addi %mul3A_2, %add3A_100 : i32
    %dma_wait3A_102 = arith.constant 0 : i32
    %dma_wait3A_103 = tpu.memref_slice %arg5[%add3A_101, %dma_wait3A_102] : memref<10240x128xf32, #tpu.memory_space<vmem_shared>> -> memref<80x128xf32, #tpu.memory_space<vmem_shared>>
    %dma_wait3A_104 = arith.constant 0 : i32
    %dma_wait3A_105 = tpu.memref_slice %arg5[%add3A_101, %dma_wait3A_104] : memref<10240x128xf32, #tpu.memory_space<vmem_shared>> -> memref<80x128xf32, #tpu.memory_space<vmem_shared>>
    tpu.wait_dma2 semaphore(%arg16 : memref<!tpu.dma_semaphore, #tpu.memory_space<semaphore_mem>>) src(%arg7 : memref<80x128xf32, #tpu.memory_space<vmem>>) dst(%dma_wait3A_105 : memref<80x128xf32, #tpu.memory_space<vmem_shared>>)
    %add3A_106 = arith.constant 560 : i32
    %add3A_107 = arith.addi %mul3A_2, %add3A_106 : i32
    %dma_wait3A_108 = arith.constant 0 : i32
    %dma_wait3A_109 = tpu.memref_slice %arg5[%add3A_107, %dma_wait3A_108] : memref<10240x128xf32, #tpu.memory_space<vmem_shared>> -> memref<80x128xf32, #tpu.memory_space<vmem_shared>>
    %dma_wait3A_110 = arith.constant 0 : i32
    %dma_wait3A_111 = tpu.memref_slice %arg5[%add3A_107, %dma_wait3A_110] : memref<10240x128xf32, #tpu.memory_space<vmem_shared>> -> memref<80x128xf32, #tpu.memory_space<vmem_shared>>
    tpu.wait_dma2 semaphore(%arg17 : memref<!tpu.dma_semaphore, #tpu.memory_space<semaphore_mem>>) src(%arg7 : memref<80x128xf32, #tpu.memory_space<vmem>>) dst(%dma_wait3A_111 : memref<80x128xf32, #tpu.memory_space<vmem_shared>>)
    %dma_wait3A_112 = arith.constant 0 : i32
    %dma_wait3A_113 = tpu.memref_slice %arg3[%dma_wait3A_112, %mul3A_6] : memref<2x320000xi32, #tpu.memory_space<hbm>> -> memref<1x10000xi32, #tpu.memory_space<hbm>>
    %dma_wait3A_114 = tpu.memref_squeeze %dma_wait3A_113 : memref<1x10000xi32, #tpu.memory_space<hbm>> -> memref<10000xi32, #tpu.memory_space<hbm>>
    %dma_wait3A_115 = tpu.memref_slice %arg3[%dma_wait3A_112, %mul3A_6] : memref<2x320000xi32, #tpu.memory_space<hbm>> -> memref<1x10000xi32, #tpu.memory_space<hbm>>
    %dma_wait3A_116 = tpu.memref_squeeze %dma_wait3A_115 : memref<1x10000xi32, #tpu.memory_space<hbm>> -> memref<10000xi32, #tpu.memory_space<hbm>>
    tpu.wait_dma2 semaphore(%arg21 : memref<!tpu.dma_semaphore, #tpu.memory_space<semaphore_mem>>) src(%dma_wait3A_116 : memref<10000xi32, #tpu.memory_space<hbm>>) dst(%arg6 : memref<10000xi32, #tpu.memory_space<vmem>>)
    %barrier3A = arith.constant 0 : index
    tpu.barrier barrier_id(%barrier3A)
    %add3A_117 = arith.constant 0 : i32
    %add3A_118 = arith.addi %mul3A_6, %add3A_117 : i32
    %dma_start3A_119 = arith.constant 1 : i32
    %dma_start3A_120 = tpu.memref_slice %arg3[%dma_start3A_119, %add3A_118] : memref<2x320000xi32, #tpu.memory_space<hbm>> -> memref<1x80xi32, #tpu.memory_space<hbm>>
    %dma_start3A_121 = tpu.memref_squeeze %dma_start3A_120 : memref<1x80xi32, #tpu.memory_space<hbm>> -> memref<80xi32, #tpu.memory_space<hbm>>
    %dma_start3A_122 = tpu.memref_slice %arg3[%dma_start3A_119, %add3A_118] : memref<2x320000xi32, #tpu.memory_space<hbm>> -> memref<1x80xi32, #tpu.memory_space<hbm>>
    %dma_start3A_123 = tpu.memref_squeeze %dma_start3A_122 : memref<1x80xi32, #tpu.memory_space<hbm>> -> memref<80xi32, #tpu.memory_space<hbm>>
    tpu.enqueue_dma source(%dma_start3A_123 : memref<80xi32, #tpu.memory_space<hbm>>) target(%arg10 : memref<80xi32, #tpu.memory_space<vmem>>) target_semaphore(%arg19 : memref<!tpu.dma_semaphore, #tpu.memory_space<semaphore_mem>>)
    %dma_start3A_124 = arith.constant 0 : i32
    %dma_start3A_125 = tpu.memref_slice %arg6[%dma_start3A_124] : memref<10000xi32, #tpu.memory_space<vmem>> -> memref<80xi32, #tpu.memory_space<vmem>>
    %dma_start3A_126 = arith.constant 0 : i32
    %dma_start3A_127 = arith.constant 0 : i32
    %dma_start3A_128 = tpu.memref_slice %arg2[%dma_start3A_126, %dma_start3A_127] : memref<10000x128xf32, #tpu.memory_space<hbm>> -> memref<10000x128xf32, #tpu.memory_space<hbm>>
    tpu.enqueue_indirect_dma source(%dma_start3A_128 : memref<10000x128xf32, #tpu.memory_space<hbm>>) target(%arg7 : memref<80x128xf32, #tpu.memory_space<vmem>>) offsets(%dma_start3A_125 : memref<80xi32, #tpu.memory_space<vmem>>) semaphore(%arg13 : memref<!tpu.dma_semaphore, #tpu.memory_space<semaphore_mem>>)
    %add3A_129 = arith.constant 80 : i32
    %add3A_130 = arith.addi %mul3A_6, %add3A_129 : i32
    %dma_start3A_131 = arith.constant 1 : i32
    %dma_start3A_132 = tpu.memref_slice %arg3[%dma_start3A_131, %add3A_130] : memref<2x320000xi32, #tpu.memory_space<hbm>> -> memref<1x80xi32, #tpu.memory_space<hbm>>
    %dma_start3A_133 = tpu.memref_squeeze %dma_start3A_132 : memref<1x80xi32, #tpu.memory_space<hbm>> -> memref<80xi32, #tpu.memory_space<hbm>>
    %dma_start3A_134 = tpu.memref_slice %arg3[%dma_start3A_131, %add3A_130] : memref<2x320000xi32, #tpu.memory_space<hbm>> -> memref<1x80xi32, #tpu.memory_space<hbm>>
    %dma_start3A_135 = tpu.memref_squeeze %dma_start3A_134 : memref<1x80xi32, #tpu.memory_space<hbm>> -> memref<80xi32, #tpu.memory_space<hbm>>
    tpu.enqueue_dma source(%dma_start3A_135 : memref<80xi32, #tpu.memory_space<hbm>>) target(%arg11 : memref<80xi32, #tpu.memory_space<vmem>>) target_semaphore(%arg20 : memref<!tpu.dma_semaphore, #tpu.memory_space<semaphore_mem>>)
    %dma_start3A_136 = arith.constant 80 : i32
    %dma_start3A_137 = tpu.memref_slice %arg6[%dma_start3A_136] : memref<10000xi32, #tpu.memory_space<vmem>> -> memref<80xi32, #tpu.memory_space<vmem>>
    %dma_start3A_138 = arith.constant 0 : i32
    %dma_start3A_139 = arith.constant 0 : i32
    %dma_start3A_140 = tpu.memref_slice %arg2[%dma_start3A_138, %dma_start3A_139] : memref<10000x128xf32, #tpu.memory_space<hbm>> -> memref<10000x128xf32, #tpu.memory_space<hbm>>
    tpu.enqueue_indirect_dma source(%dma_start3A_140 : memref<10000x128xf32, #tpu.memory_space<hbm>>) target(%arg8 : memref<80x128xf32, #tpu.memory_space<vmem>>) offsets(%dma_start3A_137 : memref<80xi32, #tpu.memory_space<vmem>>) semaphore(%arg14 : memref<!tpu.dma_semaphore, #tpu.memory_space<semaphore_mem>>)
    %scan3A_141 = arith.constant 0 : i32
    %scan3A_142 = arith.constant 0 : i32
    %scan3A_143 = arith.constant 41 : i32
    %scan3A_144 = arith.addi %scan3A_142, %scan3A_143 : i32
    %scan3A_145 = arith.constant 1 : i32
    scf.for %scan3A_197 = %scan3A_142 to %scan3A_144 step %scan3A_145  : i32 {
      %mul3A_198 = arith.constant 3 : i32
      %mul3A_199 = arith.muli %mul3A_198, %scan3A_197 : i32
      %mul3A_200 = arith.constant 80 : i32
      %mul3A_201 = arith.muli %mul3A_199, %mul3A_200 : i32
      %add3A_202 = arith.addi %mul3A_6, %mul3A_201 : i32
      %dma_wait3A_203 = arith.constant 1 : i32
      %dma_wait3A_204 = tpu.memref_slice %arg3[%dma_wait3A_203, %add3A_202] : memref<2x320000xi32, #tpu.memory_space<hbm>> -> memref<1x80xi32, #tpu.memory_space<hbm>>
      %dma_wait3A_205 = tpu.memref_squeeze %dma_wait3A_204 : memref<1x80xi32, #tpu.memory_space<hbm>> -> memref<80xi32, #tpu.memory_space<hbm>>
      %dma_wait3A_206 = tpu.memref_slice %arg3[%dma_wait3A_203, %add3A_202] : memref<2x320000xi32, #tpu.memory_space<hbm>> -> memref<1x80xi32, #tpu.memory_space<hbm>>
      %dma_wait3A_207 = tpu.memref_squeeze %dma_wait3A_206 : memref<1x80xi32, #tpu.memory_space<hbm>> -> memref<80xi32, #tpu.memory_space<hbm>>
      tpu.wait_dma2 semaphore(%arg19 : memref<!tpu.dma_semaphore, #tpu.memory_space<semaphore_mem>>) src(%dma_wait3A_207 : memref<80xi32, #tpu.memory_space<hbm>>) dst(%arg10 : memref<80xi32, #tpu.memory_space<vmem>>)
      %mul3A_208 = arith.constant 80 : i32
      %mul3A_209 = arith.muli %mul3A_199, %mul3A_208 : i32
      %dma_wait3A_210 = tpu.memref_slice %arg6[%mul3A_209] : memref<10000xi32, #tpu.memory_space<vmem>> -> memref<80xi32, #tpu.memory_space<vmem>>
      %dma_wait3A_211 = arith.constant 0 : i32
      %dma_wait3A_212 = arith.constant 0 : i32
      %dma_wait3A_213 = tpu.memref_slice %arg2[%dma_wait3A_211, %dma_wait3A_212] : memref<10000x128xf32, #tpu.memory_space<hbm>> -> memref<10000x128xf32, #tpu.memory_space<hbm>>
      tpu.wait_indirect_dma semaphore(%arg13 : memref<!tpu.dma_semaphore, #tpu.memory_space<semaphore_mem>>) src(%dma_wait3A_213 : memref<10000x128xf32, #tpu.memory_space<hbm>>) dst(%arg7 : memref<80x128xf32, #tpu.memory_space<vmem>>)
      %dma_start3A_214 = arith.constant 0 : i32
      %dma_start3A_215 = arith.constant 0 : i32
      %dma_start3A_216 = tpu.memref_slice %arg5[%dma_start3A_214, %dma_start3A_215] : memref<10240x128xf32, #tpu.memory_space<vmem_shared>> -> memref<10240x128xf32, #tpu.memory_space<vmem_shared>>
      tpu.enqueue_indirect_dma source(%arg7 : memref<80x128xf32, #tpu.memory_space<vmem>>) target(%dma_start3A_216 : memref<10240x128xf32, #tpu.memory_space<vmem_shared>>) offsets(%arg10 : memref<80xi32, #tpu.memory_space<vmem>>) semaphore(%arg16 : memref<!tpu.dma_semaphore, #tpu.memory_space<semaphore_mem>>) {add = true}
      %gt3A = arith.constant 0 : i32
      %gt3A_217 = arith.cmpi sgt, %scan3A_197, %gt3A : i32
      %convert_element_type3A = arith.extui %gt3A_217 : i1 to i32
      %cond3A = arith.constant 0 : i32
      %cond3A_218 = arith.cmpi ne, %convert_element_type3A, %cond3A : i32
      scf.if %cond3A_218 {
        %dma_wait3A_311 = arith.constant 0 : i32
        %dma_wait3A_312 = arith.constant 0 : i32
        %dma_wait3A_313 = tpu.memref_slice %arg5[%dma_wait3A_311, %dma_wait3A_312] : memref<10240x128xf32, #tpu.memory_space<vmem_shared>> -> memref<10240x128xf32, #tpu.memory_space<vmem_shared>>
        tpu.wait_indirect_dma semaphore(%arg18 : memref<!tpu.dma_semaphore, #tpu.memory_space<semaphore_mem>>) src(%arg9 : memref<80x128xf32, #tpu.memory_space<vmem>>) dst(%dma_wait3A_313 : memref<10240x128xf32, #tpu.memory_space<vmem_shared>>)
      } else {
      }
      %add3A_219 = arith.constant 2 : i32
      %add3A_220 = arith.addi %mul3A_199, %add3A_219 : i32
      %mul3A_221 = arith.constant 80 : i32
      %mul3A_222 = arith.muli %add3A_220, %mul3A_221 : i32
      %add3A_223 = arith.addi %mul3A_6, %mul3A_222 : i32
      %dma_start3A_224 = arith.constant 1 : i32
      %dma_start3A_225 = tpu.memref_slice %arg3[%dma_start3A_224, %add3A_223] : memref<2x320000xi32, #tpu.memory_space<hbm>> -> memref<1x80xi32, #tpu.memory_space<hbm>>
      %dma_start3A_226 = tpu.memref_squeeze %dma_start3A_225 : memref<1x80xi32, #tpu.memory_space<hbm>> -> memref<80xi32, #tpu.memory_space<hbm>>
      %dma_start3A_227 = tpu.memref_slice %arg3[%dma_start3A_224, %add3A_223] : memref<2x320000xi32, #tpu.memory_space<hbm>> -> memref<1x80xi32, #tpu.memory_space<hbm>>
      %dma_start3A_228 = tpu.memref_squeeze %dma_start3A_227 : memref<1x80xi32, #tpu.memory_space<hbm>> -> memref<80xi32, #tpu.memory_space<hbm>>
      tpu.enqueue_dma source(%dma_start3A_228 : memref<80xi32, #tpu.memory_space<hbm>>) target(%arg12 : memref<80xi32, #tpu.memory_space<vmem>>) target_semaphore(%arg21 : memref<!tpu.dma_semaphore, #tpu.memory_space<semaphore_mem>>)
      %mul3A_229 = arith.constant 80 : i32
      %mul3A_230 = arith.muli %add3A_220, %mul3A_229 : i32
      %dma_start3A_231 = tpu.memref_slice %arg6[%mul3A_230] : memref<10000xi32, #tpu.memory_space<vmem>> -> memref<80xi32, #tpu.memory_space<vmem>>
      %dma_start3A_232 = arith.constant 0 : i32
      %dma_start3A_233 = arith.constant 0 : i32
      %dma_start3A_234 = tpu.memref_slice %arg2[%dma_start3A_232, %dma_start3A_233] : memref<10000x128xf32, #tpu.memory_space<hbm>> -> memref<10000x128xf32, #tpu.memory_space<hbm>>
      tpu.enqueue_indirect_dma source(%dma_start3A_234 : memref<10000x128xf32, #tpu.memory_space<hbm>>) target(%arg9 : memref<80x128xf32, #tpu.memory_space<vmem>>) offsets(%dma_start3A_231 : memref<80xi32, #tpu.memory_space<vmem>>) semaphore(%arg15 : memref<!tpu.dma_semaphore, #tpu.memory_space<semaphore_mem>>)
      %add3A_235 = arith.constant 1 : i32
      %add3A_236 = arith.addi %mul3A_199, %add3A_235 : i32
      %mul3A_237 = arith.constant 80 : i32
      %mul3A_238 = arith.muli %add3A_236, %mul3A_237 : i32
      %add3A_239 = arith.addi %mul3A_6, %mul3A_238 : i32
      %dma_wait3A_240 = arith.constant 1 : i32
      %dma_wait3A_241 = tpu.memref_slice %arg3[%dma_wait3A_240, %add3A_239] : memref<2x320000xi32, #tpu.memory_space<hbm>> -> memref<1x80xi32, #tpu.memory_space<hbm>>
      %dma_wait3A_242 = tpu.memref_squeeze %dma_wait3A_241 : memref<1x80xi32, #tpu.memory_space<hbm>> -> memref<80xi32, #tpu.memory_space<hbm>>
      %dma_wait3A_243 = tpu.memref_slice %arg3[%dma_wait3A_240, %add3A_239] : memref<2x320000xi32, #tpu.memory_space<hbm>> -> memref<1x80xi32, #tpu.memory_space<hbm>>
      %dma_wait3A_244 = tpu.memref_squeeze %dma_wait3A_243 : memref<1x80xi32, #tpu.memory_space<hbm>> -> memref<80xi32, #tpu.memory_space<hbm>>
      tpu.wait_dma2 semaphore(%arg20 : memref<!tpu.dma_semaphore, #tpu.memory_space<semaphore_mem>>) src(%dma_wait3A_244 : memref<80xi32, #tpu.memory_space<hbm>>) dst(%arg11 : memref<80xi32, #tpu.memory_space<vmem>>)
      %mul3A_245 = arith.constant 80 : i32
      %mul3A_246 = arith.muli %add3A_236, %mul3A_245 : i32
      %dma_wait3A_247 = tpu.memref_slice %arg6[%mul3A_246] : memref<10000xi32, #tpu.memory_space<vmem>> -> memref<80xi32, #tpu.memory_space<vmem>>
      %dma_wait3A_248 = arith.constant 0 : i32
      %dma_wait3A_249 = arith.constant 0 : i32
      %dma_wait3A_250 = tpu.memref_slice %arg2[%dma_wait3A_248, %dma_wait3A_249] : memref<10000x128xf32, #tpu.memory_space<hbm>> -> memref<10000x128xf32, #tpu.memory_space<hbm>>
      tpu.wait_indirect_dma semaphore(%arg14 : memref<!tpu.dma_semaphore, #tpu.memory_space<semaphore_mem>>) src(%dma_wait3A_250 : memref<10000x128xf32, #tpu.memory_space<hbm>>) dst(%arg8 : memref<80x128xf32, #tpu.memory_space<vmem>>)
      %dma_start3A_251 = arith.constant 0 : i32
      %dma_start3A_252 = arith.constant 0 : i32
      %dma_start3A_253 = tpu.memref_slice %arg5[%dma_start3A_251, %dma_start3A_252] : memref<10240x128xf32, #tpu.memory_space<vmem_shared>> -> memref<10240x128xf32, #tpu.memory_space<vmem_shared>>
      tpu.enqueue_indirect_dma source(%arg8 : memref<80x128xf32, #tpu.memory_space<vmem>>) target(%dma_start3A_253 : memref<10240x128xf32, #tpu.memory_space<vmem_shared>>) offsets(%arg11 : memref<80xi32, #tpu.memory_space<vmem>>) semaphore(%arg17 : memref<!tpu.dma_semaphore, #tpu.memory_space<semaphore_mem>>) {add = true}
      %dma_wait3A_254 = arith.constant 0 : i32
      %dma_wait3A_255 = arith.constant 0 : i32
      %dma_wait3A_256 = tpu.memref_slice %arg5[%dma_wait3A_254, %dma_wait3A_255] : memref<10240x128xf32, #tpu.memory_space<vmem_shared>> -> memref<10240x128xf32, #tpu.memory_space<vmem_shared>>
      tpu.wait_indirect_dma semaphore(%arg16 : memref<!tpu.dma_semaphore, #tpu.memory_space<semaphore_mem>>) src(%arg7 : memref<80x128xf32, #tpu.memory_space<vmem>>) dst(%dma_wait3A_256 : memref<10240x128xf32, #tpu.memory_space<vmem_shared>>)
      %add3A_257 = arith.constant 3 : i32
      %add3A_258 = arith.addi %mul3A_199, %add3A_257 : i32
      %mul3A_259 = arith.constant 80 : i32
      %mul3A_260 = arith.muli %add3A_258, %mul3A_259 : i32
      %add3A_261 = arith.addi %mul3A_6, %mul3A_260 : i32
      %dma_start3A_262 = arith.constant 1 : i32
      %dma_start3A_263 = tpu.memref_slice %arg3[%dma_start3A_262, %add3A_261] : memref<2x320000xi32, #tpu.memory_space<hbm>> -> memref<1x80xi32, #tpu.memory_space<hbm>>
      %dma_start3A_264 = tpu.memref_squeeze %dma_start3A_263 : memref<1x80xi32, #tpu.memory_space<hbm>> -> memref<80xi32, #tpu.memory_space<hbm>>
      %dma_start3A_265 = tpu.memref_slice %arg3[%dma_start3A_262, %add3A_261] : memref<2x320000xi32, #tpu.memory_space<hbm>> -> memref<1x80xi32, #tpu.memory_space<hbm>>
      %dma_start3A_266 = tpu.memref_squeeze %dma_start3A_265 : memref<1x80xi32, #tpu.memory_space<hbm>> -> memref<80xi32, #tpu.memory_space<hbm>>
      tpu.enqueue_dma source(%dma_start3A_266 : memref<80xi32, #tpu.memory_space<hbm>>) target(%arg10 : memref<80xi32, #tpu.memory_space<vmem>>) target_semaphore(%arg19 : memref<!tpu.dma_semaphore, #tpu.memory_space<semaphore_mem>>)
      %mul3A_267 = arith.constant 80 : i32
      %mul3A_268 = arith.muli %add3A_258, %mul3A_267 : i32
      %dma_start3A_269 = tpu.memref_slice %arg6[%mul3A_268] : memref<10000xi32, #tpu.memory_space<vmem>> -> memref<80xi32, #tpu.memory_space<vmem>>
      %dma_start3A_270 = arith.constant 0 : i32
      %dma_start3A_271 = arith.constant 0 : i32
      %dma_start3A_272 = tpu.memref_slice %arg2[%dma_start3A_270, %dma_start3A_271] : memref<10000x128xf32, #tpu.memory_space<hbm>> -> memref<10000x128xf32, #tpu.memory_space<hbm>>
      tpu.enqueue_indirect_dma source(%dma_start3A_272 : memref<10000x128xf32, #tpu.memory_space<hbm>>) target(%arg7 : memref<80x128xf32, #tpu.memory_space<vmem>>) offsets(%dma_start3A_269 : memref<80xi32, #tpu.memory_space<vmem>>) semaphore(%arg13 : memref<!tpu.dma_semaphore, #tpu.memory_space<semaphore_mem>>)
      %add3A_273 = arith.constant 2 : i32
      %add3A_274 = arith.addi %mul3A_199, %add3A_273 : i32
      %mul3A_275 = arith.constant 80 : i32
      %mul3A_276 = arith.muli %add3A_274, %mul3A_275 : i32
      %add3A_277 = arith.addi %mul3A_6, %mul3A_276 : i32
      %dma_wait3A_278 = arith.constant 1 : i32
      %dma_wait3A_279 = tpu.memref_slice %arg3[%dma_wait3A_278, %add3A_277] : memref<2x320000xi32, #tpu.memory_space<hbm>> -> memref<1x80xi32, #tpu.memory_space<hbm>>
      %dma_wait3A_280 = tpu.memref_squeeze %dma_wait3A_279 : memref<1x80xi32, #tpu.memory_space<hbm>> -> memref<80xi32, #tpu.memory_space<hbm>>
      %dma_wait3A_281 = tpu.memref_slice %arg3[%dma_wait3A_278, %add3A_277] : memref<2x320000xi32, #tpu.memory_space<hbm>> -> memref<1x80xi32, #tpu.memory_space<hbm>>
      %dma_wait3A_282 = tpu.memref_squeeze %dma_wait3A_281 : memref<1x80xi32, #tpu.memory_space<hbm>> -> memref<80xi32, #tpu.memory_space<hbm>>
      tpu.wait_dma2 semaphore(%arg21 : memref<!tpu.dma_semaphore, #tpu.memory_space<semaphore_mem>>) src(%dma_wait3A_282 : memref<80xi32, #tpu.memory_space<hbm>>) dst(%arg12 : memref<80xi32, #tpu.memory_space<vmem>>)
      %mul3A_283 = arith.constant 80 : i32
      %mul3A_284 = arith.muli %add3A_274, %mul3A_283 : i32
      %dma_wait3A_285 = tpu.memref_slice %arg6[%mul3A_284] : memref<10000xi32, #tpu.memory_space<vmem>> -> memref<80xi32, #tpu.memory_space<vmem>>
      %dma_wait3A_286 = arith.constant 0 : i32
      %dma_wait3A_287 = arith.constant 0 : i32
      %dma_wait3A_288 = tpu.memref_slice %arg2[%dma_wait3A_286, %dma_wait3A_287] : memref<10000x128xf32, #tpu.memory_space<hbm>> -> memref<10000x128xf32, #tpu.memory_space<hbm>>
      tpu.wait_indirect_dma semaphore(%arg15 : memref<!tpu.dma_semaphore, #tpu.memory_space<semaphore_mem>>) src(%dma_wait3A_288 : memref<10000x128xf32, #tpu.memory_space<hbm>>) dst(%arg9 : memref<80x128xf32, #tpu.memory_space<vmem>>)
      %dma_start3A_289 = arith.constant 0 : i32
      %dma_start3A_290 = arith.constant 0 : i32
      %dma_start3A_291 = tpu.memref_slice %arg5[%dma_start3A_289, %dma_start3A_290] : memref<10240x128xf32, #tpu.memory_space<vmem_shared>> -> memref<10240x128xf32, #tpu.memory_space<vmem_shared>>
      tpu.enqueue_indirect_dma source(%arg9 : memref<80x128xf32, #tpu.memory_space<vmem>>) target(%dma_start3A_291 : memref<10240x128xf32, #tpu.memory_space<vmem_shared>>) offsets(%arg12 : memref<80xi32, #tpu.memory_space<vmem>>) semaphore(%arg18 : memref<!tpu.dma_semaphore, #tpu.memory_space<semaphore_mem>>) {add = true}
      %dma_wait3A_292 = arith.constant 0 : i32
      %dma_wait3A_293 = arith.constant 0 : i32
      %dma_wait3A_294 = tpu.memref_slice %arg5[%dma_wait3A_292, %dma_wait3A_293] : memref<10240x128xf32, #tpu.memory_space<vmem_shared>> -> memref<10240x128xf32, #tpu.memory_space<vmem_shared>>
      tpu.wait_indirect_dma semaphore(%arg17 : memref<!tpu.dma_semaphore, #tpu.memory_space<semaphore_mem>>) src(%arg8 : memref<80x128xf32, #tpu.memory_space<vmem>>) dst(%dma_wait3A_294 : memref<10240x128xf32, #tpu.memory_space<vmem_shared>>)
      %add3A_295 = arith.constant 4 : i32
      %add3A_296 = arith.addi %mul3A_199, %add3A_295 : i32
      %mul3A_297 = arith.constant 80 : i32
      %mul3A_298 = arith.muli %add3A_296, %mul3A_297 : i32
      %add3A_299 = arith.addi %mul3A_6, %mul3A_298 : i32
      %dma_start3A_300 = arith.constant 1 : i32
      %dma_start3A_301 = tpu.memref_slice %arg3[%dma_start3A_300, %add3A_299] : memref<2x320000xi32, #tpu.memory_space<hbm>> -> memref<1x80xi32, #tpu.memory_space<hbm>>
      %dma_start3A_302 = tpu.memref_squeeze %dma_start3A_301 : memref<1x80xi32, #tpu.memory_space<hbm>> -> memref<80xi32, #tpu.memory_space<hbm>>
      %dma_start3A_303 = tpu.memref_slice %arg3[%dma_start3A_300, %add3A_299] : memref<2x320000xi32, #tpu.memory_space<hbm>> -> memref<1x80xi32, #tpu.memory_space<hbm>>
      %dma_start3A_304 = tpu.memref_squeeze %dma_start3A_303 : memref<1x80xi32, #tpu.memory_space<hbm>> -> memref<80xi32, #tpu.memory_space<hbm>>
      tpu.enqueue_dma source(%dma_start3A_304 : memref<80xi32, #tpu.memory_space<hbm>>) target(%arg11 : memref<80xi32, #tpu.memory_space<vmem>>) target_semaphore(%arg20 : memref<!tpu.dma_semaphore, #tpu.memory_space<semaphore_mem>>)
      %mul3A_305 = arith.constant 80 : i32
      %mul3A_306 = arith.muli %add3A_296, %mul3A_305 : i32
      %dma_start3A_307 = tpu.memref_slice %arg6[%mul3A_306] : memref<10000xi32, #tpu.memory_space<vmem>> -> memref<80xi32, #tpu.memory_space<vmem>>
      %dma_start3A_308 = arith.constant 0 : i32
      %dma_start3A_309 = arith.constant 0 : i32
      %dma_start3A_310 = tpu.memref_slice %arg2[%dma_start3A_308, %dma_start3A_309] : memref<10000x128xf32, #tpu.memory_space<hbm>> -> memref<10000x128xf32, #tpu.memory_space<hbm>>
      tpu.enqueue_indirect_dma source(%dma_start3A_310 : memref<10000x128xf32, #tpu.memory_space<hbm>>) target(%arg8 : memref<80x128xf32, #tpu.memory_space<vmem>>) offsets(%dma_start3A_307 : memref<80xi32, #tpu.memory_space<vmem>>) semaphore(%arg14 : memref<!tpu.dma_semaphore, #tpu.memory_space<semaphore_mem>>)
    }
    %scan3A_146 = arith.constant 41 : i32
    %add3A_147 = arith.constant 9840 : i32
    %add3A_148 = arith.addi %mul3A_6, %add3A_147 : i32
    %dma_wait3A_149 = arith.constant 1 : i32
    %dma_wait3A_150 = tpu.memref_slice %arg3[%dma_wait3A_149, %add3A_148] : memref<2x320000xi32, #tpu.memory_space<hbm>> -> memref<1x80xi32, #tpu.memory_space<hbm>>
    %dma_wait3A_151 = tpu.memref_squeeze %dma_wait3A_150 : memref<1x80xi32, #tpu.memory_space<hbm>> -> memref<80xi32, #tpu.memory_space<hbm>>
    %dma_wait3A_152 = tpu.memref_slice %arg3[%dma_wait3A_149, %add3A_148] : memref<2x320000xi32, #tpu.memory_space<hbm>> -> memref<1x80xi32, #tpu.memory_space<hbm>>
    %dma_wait3A_153 = tpu.memref_squeeze %dma_wait3A_152 : memref<1x80xi32, #tpu.memory_space<hbm>> -> memref<80xi32, #tpu.memory_space<hbm>>
    tpu.wait_dma2 semaphore(%arg19 : memref<!tpu.dma_semaphore, #tpu.memory_space<semaphore_mem>>) src(%dma_wait3A_153 : memref<80xi32, #tpu.memory_space<hbm>>) dst(%arg10 : memref<80xi32, #tpu.memory_space<vmem>>)
    %dma_wait3A_154 = arith.constant 9840 : i32
    %dma_wait3A_155 = tpu.memref_slice %arg6[%dma_wait3A_154] : memref<10000xi32, #tpu.memory_space<vmem>> -> memref<80xi32, #tpu.memory_space<vmem>>
    %dma_wait3A_156 = arith.constant 0 : i32
    %dma_wait3A_157 = arith.constant 0 : i32
    %dma_wait3A_158 = tpu.memref_slice %arg2[%dma_wait3A_156, %dma_wait3A_157] : memref<10000x128xf32, #tpu.memory_space<hbm>> -> memref<10000x128xf32, #tpu.memory_space<hbm>>
    tpu.wait_indirect_dma semaphore(%arg13 : memref<!tpu.dma_semaphore, #tpu.memory_space<semaphore_mem>>) src(%dma_wait3A_158 : memref<10000x128xf32, #tpu.memory_space<hbm>>) dst(%arg7 : memref<80x128xf32, #tpu.memory_space<vmem>>)
    %dma_start3A_159 = arith.constant 0 : i32
    %dma_start3A_160 = arith.constant 0 : i32
    %dma_start3A_161 = tpu.memref_slice %arg5[%dma_start3A_159, %dma_start3A_160] : memref<10240x128xf32, #tpu.memory_space<vmem_shared>> -> memref<10240x128xf32, #tpu.memory_space<vmem_shared>>
    tpu.enqueue_indirect_dma source(%arg7 : memref<80x128xf32, #tpu.memory_space<vmem>>) target(%dma_start3A_161 : memref<10240x128xf32, #tpu.memory_space<vmem_shared>>) offsets(%arg10 : memref<80xi32, #tpu.memory_space<vmem>>) semaphore(%arg16 : memref<!tpu.dma_semaphore, #tpu.memory_space<semaphore_mem>>) {add = true}
    %add3A_162 = arith.constant 9920 : i32
    %add3A_163 = arith.addi %mul3A_6, %add3A_162 : i32
    %dma_wait3A_164 = arith.constant 1 : i32
    %dma_wait3A_165 = tpu.memref_slice %arg3[%dma_wait3A_164, %add3A_163] : memref<2x320000xi32, #tpu.memory_space<hbm>> -> memref<1x80xi32, #tpu.memory_space<hbm>>
    %dma_wait3A_166 = tpu.memref_squeeze %dma_wait3A_165 : memref<1x80xi32, #tpu.memory_space<hbm>> -> memref<80xi32, #tpu.memory_space<hbm>>
    %dma_wait3A_167 = tpu.memref_slice %arg3[%dma_wait3A_164, %add3A_163] : memref<2x320000xi32, #tpu.memory_space<hbm>> -> memref<1x80xi32, #tpu.memory_space<hbm>>
    %dma_wait3A_168 = tpu.memref_squeeze %dma_wait3A_167 : memref<1x80xi32, #tpu.memory_space<hbm>> -> memref<80xi32, #tpu.memory_space<hbm>>
    tpu.wait_dma2 semaphore(%arg20 : memref<!tpu.dma_semaphore, #tpu.memory_space<semaphore_mem>>) src(%dma_wait3A_168 : memref<80xi32, #tpu.memory_space<hbm>>) dst(%arg11 : memref<80xi32, #tpu.memory_space<vmem>>)
    %dma_wait3A_169 = arith.constant 9920 : i32
    %dma_wait3A_170 = tpu.memref_slice %arg6[%dma_wait3A_169] : memref<10000xi32, #tpu.memory_space<vmem>> -> memref<80xi32, #tpu.memory_space<vmem>>
    %dma_wait3A_171 = arith.constant 0 : i32
    %dma_wait3A_172 = arith.constant 0 : i32
    %dma_wait3A_173 = tpu.memref_slice %arg2[%dma_wait3A_171, %dma_wait3A_172] : memref<10000x128xf32, #tpu.memory_space<hbm>> -> memref<10000x128xf32, #tpu.memory_space<hbm>>
    tpu.wait_indirect_dma semaphore(%arg14 : memref<!tpu.dma_semaphore, #tpu.memory_space<semaphore_mem>>) src(%dma_wait3A_173 : memref<10000x128xf32, #tpu.memory_space<hbm>>) dst(%arg8 : memref<80x128xf32, #tpu.memory_space<vmem>>)
    %dma_start3A_174 = arith.constant 0 : i32
    %dma_start3A_175 = arith.constant 0 : i32
    %dma_start3A_176 = tpu.memref_slice %arg5[%dma_start3A_174, %dma_start3A_175] : memref<10240x128xf32, #tpu.memory_space<vmem_shared>> -> memref<10240x128xf32, #tpu.memory_space<vmem_shared>>
    tpu.enqueue_indirect_dma source(%arg8 : memref<80x128xf32, #tpu.memory_space<vmem>>) target(%dma_start3A_176 : memref<10240x128xf32, #tpu.memory_space<vmem_shared>>) offsets(%arg11 : memref<80xi32, #tpu.memory_space<vmem>>) semaphore(%arg17 : memref<!tpu.dma_semaphore, #tpu.memory_space<semaphore_mem>>) {add = true}
    %dma_wait3A_177 = arith.constant 0 : i32
    %dma_wait3A_178 = arith.constant 0 : i32
    %dma_wait3A_179 = tpu.memref_slice %arg5[%dma_wait3A_177, %dma_wait3A_178] : memref<10240x128xf32, #tpu.memory_space<vmem_shared>> -> memref<10240x128xf32, #tpu.memory_space<vmem_shared>>
    tpu.wait_indirect_dma semaphore(%arg18 : memref<!tpu.dma_semaphore, #tpu.memory_space<semaphore_mem>>) src(%arg9 : memref<80x128xf32, #tpu.memory_space<vmem>>) dst(%dma_wait3A_179 : memref<10240x128xf32, #tpu.memory_space<vmem_shared>>)
    %dma_wait3A_180 = arith.constant 0 : i32
    %dma_wait3A_181 = arith.constant 0 : i32
    %dma_wait3A_182 = tpu.memref_slice %arg5[%dma_wait3A_180, %dma_wait3A_181] : memref<10240x128xf32, #tpu.memory_space<vmem_shared>> -> memref<10240x128xf32, #tpu.memory_space<vmem_shared>>
    tpu.wait_indirect_dma semaphore(%arg16 : memref<!tpu.dma_semaphore, #tpu.memory_space<semaphore_mem>>) src(%arg7 : memref<80x128xf32, #tpu.memory_space<vmem>>) dst(%dma_wait3A_182 : memref<10240x128xf32, #tpu.memory_space<vmem_shared>>)
    %dma_wait3A_183 = arith.constant 0 : i32
    %dma_wait3A_184 = arith.constant 0 : i32
    %dma_wait3A_185 = tpu.memref_slice %arg5[%dma_wait3A_183, %dma_wait3A_184] : memref<10240x128xf32, #tpu.memory_space<vmem_shared>> -> memref<10240x128xf32, #tpu.memory_space<vmem_shared>>
    tpu.wait_indirect_dma semaphore(%arg17 : memref<!tpu.dma_semaphore, #tpu.memory_space<semaphore_mem>>) src(%arg8 : memref<80x128xf32, #tpu.memory_space<vmem>>) dst(%dma_wait3A_185 : memref<10240x128xf32, #tpu.memory_space<vmem_shared>>)
    %barrier3A_186 = arith.constant 0 : index
    tpu.barrier barrier_id(%barrier3A_186)
    %dma_start3A_187 = arith.constant 0 : i32
    %dma_start3A_188 = tpu.memref_slice %arg4[%arg0, %mul3A_2, %dma_start3A_187] : memref<2x10240x128xf32, #tpu.memory_space<hbm>> -> memref<1x640x128xf32, #tpu.memory_space<hbm>>
    %dma_start3A_189 = tpu.memref_squeeze %dma_start3A_188 : memref<1x640x128xf32, #tpu.memory_space<hbm>> -> memref<640x128xf32, #tpu.memory_space<hbm>>
    %dma_start3A_190 = arith.constant 0 : i32
    %dma_start3A_191 = tpu.memref_slice %arg5[%mul3A_2, %dma_start3A_190] : memref<10240x128xf32, #tpu.memory_space<vmem_shared>> -> memref<640x128xf32, #tpu.memory_space<vmem_shared>>
    tpu.enqueue_dma source(%dma_start3A_191 : memref<640x128xf32, #tpu.memory_space<vmem_shared>>) target(%dma_start3A_189 : memref<640x128xf32, #tpu.memory_space<hbm>>) target_semaphore(%arg16 : memref<!tpu.dma_semaphore, #tpu.memory_space<semaphore_mem>>)
    %dma_wait3A_192 = arith.constant 0 : i32
    %dma_wait3A_193 = tpu.memref_slice %arg4[%arg0, %mul3A_2, %dma_wait3A_192] : memref<2x10240x128xf32, #tpu.memory_space<hbm>> -> memref<1x640x128xf32, #tpu.memory_space<hbm>>
    %dma_wait3A_194 = tpu.memref_squeeze %dma_wait3A_193 : memref<1x640x128xf32, #tpu.memory_space<hbm>> -> memref<640x128xf32, #tpu.memory_space<hbm>>
    %dma_wait3A_195 = arith.constant 0 : i32
    %dma_wait3A_196 = tpu.memref_slice %arg5[%mul3A_2, %dma_wait3A_195] : memref<10240x128xf32, #tpu.memory_space<vmem_shared>> -> memref<640x128xf32, #tpu.memory_space<vmem_shared>>
    tpu.wait_dma2 semaphore(%arg16 : memref<!tpu.dma_semaphore, #tpu.memory_space<semaphore_mem>>) src(%dma_wait3A_196 : memref<640x128xf32, #tpu.memory_space<vmem_shared>>) dst(%dma_wait3A_194 : memref<640x128xf32, #tpu.memory_space<hbm>>)
    return
  }
}

module attributes {stable_mosaic.version = 14 : i64} {
  func.func @body(%arg0: memref<10000x128xf32, #tpu.memory_space<vmem>>, %arg1: memref<2x10240x128xf32, #tpu.memory_space<vmem>>, %arg2: memref<2x10240xf32, #tpu.memory_space<vmem>>, %arg3: memref<128x128xf32, #tpu.memory_space<vmem>>, %arg4: memref<1x128xf32, #tpu.memory_space<vmem>>, %arg5: memref<1x128xf32, #tpu.memory_space<vmem>>, %arg6: memref<10000x128xf32, #tpu.memory_space<vmem>>) attributes {dimension_semantics = [], scalar_prefetch = 0 : i64, scratch_operands = 0 : i64, tpu.core_type = #tpu.core_type<tc>} {
    %get3A = arith.constant 0 : index
    %get3A_0 = arith.constant 0 : index
    %get3A_1 = arith.constant 0 : index
    %get3A_2 = vector.load %arg1[%get3A, %get3A_0, %get3A_1] : memref<2x10240x128xf32, #tpu.memory_space<vmem>>, vector<1x10000x128xf32>
    %get3A_3 = vector.shape_cast %get3A_2 : vector<1x10000x128xf32> to vector<10000x128xf32>
    %get3A_4 = arith.constant 1 : index
    %get3A_5 = arith.constant 0 : index
    %get3A_6 = arith.constant 0 : index
    %get3A_7 = vector.load %arg1[%get3A_4, %get3A_5, %get3A_6] : memref<2x10240x128xf32, #tpu.memory_space<vmem>>, vector<1x10000x128xf32>
    %get3A_8 = vector.shape_cast %get3A_7 : vector<1x10000x128xf32> to vector<10000x128xf32>
    %add3A = arith.addf %get3A_3, %get3A_8 : vector<10000x128xf32>
    %get3A_9 = arith.constant 0 : index
    %get3A_10 = arith.constant 0 : index
    %get3A_11 = vector.load %arg2[%get3A_9, %get3A_10] : memref<2x10240xf32, #tpu.memory_space<vmem>>, vector<1x10000xf32>
    %get3A_12 = vector.shape_cast %get3A_11 : vector<1x10000xf32> to vector<10000xf32>
    %get3A_13 = arith.constant 1 : index
    %get3A_14 = arith.constant 0 : index
    %get3A_15 = vector.load %arg2[%get3A_13, %get3A_14] : memref<2x10240xf32, #tpu.memory_space<vmem>>, vector<1x10000xf32>
    %get3A_16 = vector.shape_cast %get3A_15 : vector<1x10000xf32> to vector<10000xf32>
    %add3A_17 = arith.addf %get3A_12, %get3A_16 : vector<10000xf32>
    %max3A = arith.constant 1.000000e+00 : f32
    %max3A_18 = vector.broadcast %max3A : f32 to vector<10000xf32>
    %max3A_19 = arith.maximumf %add3A_17, %max3A_18 : vector<10000xf32>
    %broadcast_in_dim3A = vector.shape_cast %max3A_19 : vector<10000xf32> to vector<10000x1xf32>
    %div3A = vector.broadcast %broadcast_in_dim3A : vector<10000x1xf32> to vector<10000x128xf32>
    %div3A_20 = arith.divf %add3A, %div3A : vector<10000x128xf32>
    %get3A_21 = arith.constant 0 : index
    %get3A_22 = arith.constant 0 : index
    %get3A_23 = vector.load %arg0[%get3A_21, %get3A_22] : memref<10000x128xf32, #tpu.memory_space<vmem>>, vector<10000x128xf32>
    %get3A_24 = arith.constant 0 : index
    %get3A_25 = arith.constant 0 : index
    %get3A_26 = vector.load %arg3[%get3A_24, %get3A_25] : memref<128x128xf32, #tpu.memory_space<vmem>>, vector<128x128xf32>
    %dot_general3A = arith.constant dense<0.000000e+00> : vector<10000x128xf32>
    %dot_general3A_27 = tpu.matmul %div3A_20, %get3A_26, %dot_general3A {dimension_numbers = #tpu.dot_dimension_numbers<[1], [0], [0], [1], [0, 0, 1, 1], [], []>, transpose_lhs_hint = false} : vector<10000x128xf32>, vector<128x128xf32>, vector<10000x128xf32> -> vector<10000x128xf32>
    %add3A_28 = arith.addf %get3A_23, %dot_general3A_27 : vector<10000x128xf32>
    %reduce_sum3A = arith.constant dense<0.000000e+00> : vector<128xf32>
    %reduce_sum3A_29 = vector.multi_reduction <add>, %add3A_28, %reduce_sum3A [0] : vector<10000x128xf32> to vector<128xf32>
    %broadcast_in_dim3A_30 = vector.shape_cast %reduce_sum3A_29 : vector<128xf32> to vector<1x128xf32>
    %div3A_31 = arith.constant 1.000000e+04 : f32
    %div3A_32 = vector.broadcast %div3A_31 : f32 to vector<1x128xf32>
    %div3A_33 = arith.divf %broadcast_in_dim3A_30, %div3A_32 : vector<1x128xf32>
    %sub3A = vector.broadcast %div3A_33 : vector<1x128xf32> to vector<10000x128xf32>
    %sub3A_34 = arith.subf %add3A_28, %sub3A : vector<10000x128xf32>
    %integer_pow3A = arith.mulf %sub3A_34, %sub3A_34 : vector<10000x128xf32>
    %reduce_sum3A_35 = arith.constant dense<0.000000e+00> : vector<128xf32>
    %reduce_sum3A_36 = vector.multi_reduction <add>, %integer_pow3A, %reduce_sum3A_35 [0] : vector<10000x128xf32> to vector<128xf32>
    %broadcast_in_dim3A_37 = vector.shape_cast %reduce_sum3A_36 : vector<128xf32> to vector<1x128xf32>
    %div3A_38 = arith.constant 1.000000e+04 : f32
    %div3A_39 = vector.broadcast %div3A_38 : f32 to vector<1x128xf32>
    %div3A_40 = arith.divf %broadcast_in_dim3A_37, %div3A_39 : vector<1x128xf32>
    %get3A_41 = arith.constant 0 : index
    %get3A_42 = arith.constant 0 : index
    %get3A_43 = vector.load %arg4[%get3A_41, %get3A_42] : memref<1x128xf32, #tpu.memory_space<vmem>>, vector<1x128xf32>
    %sub3A_44 = vector.broadcast %div3A_33 : vector<1x128xf32> to vector<10000x128xf32>
    %sub3A_45 = arith.subf %add3A_28, %sub3A_44 : vector<10000x128xf32>
    %mul3A = vector.broadcast %get3A_43 : vector<1x128xf32> to vector<10000x128xf32>
    %mul3A_46 = arith.mulf %mul3A, %sub3A_45 : vector<10000x128xf32>
    %add3A_47 = arith.constant 9.99999974E-6 : f32
    %add3A_48 = vector.broadcast %add3A_47 : f32 to vector<1x128xf32>
    %add3A_49 = arith.addf %div3A_40, %add3A_48 : vector<1x128xf32>
    %rsqrt3A = math.rsqrt %add3A_49 : vector<1x128xf32>
    %mul3A_50 = vector.broadcast %rsqrt3A : vector<1x128xf32> to vector<10000x128xf32>
    %mul3A_51 = arith.mulf %mul3A_46, %mul3A_50 : vector<10000x128xf32>
    %get3A_52 = arith.constant 0 : index
    %get3A_53 = arith.constant 0 : index
    %get3A_54 = vector.load %arg5[%get3A_52, %get3A_53] : memref<1x128xf32, #tpu.memory_space<vmem>>, vector<1x128xf32>
    %add3A_55 = vector.broadcast %get3A_54 : vector<1x128xf32> to vector<10000x128xf32>
    %add3A_56 = arith.addf %mul3A_51, %add3A_55 : vector<10000x128xf32>
    %max3A_57 = arith.constant 0.000000e+00 : f32
    %max3A_58 = vector.broadcast %max3A_57 : f32 to vector<10000x128xf32>
    %max3A_59 = arith.maximumf %add3A_56, %max3A_58 : vector<10000x128xf32>
    %swap3A = arith.constant 0 : index
    %swap3A_60 = arith.constant 0 : index
    %swap3A_61 = vector.load %arg6[%swap3A, %swap3A_60] : memref<10000x128xf32, #tpu.memory_space<vmem>>, vector<10000x128xf32>
    tpu.vector_store %arg6[%swap3A, %swap3A_60], %max3A_59 {strides = array<i32>} : memref<10000x128xf32, #tpu.memory_space<vmem>>, vector<10000x128xf32>,
    return
  }
}

module attributes {stable_mosaic.version = 14 : i64} {
  func.func @body(%arg0: i32, %arg1: memref<1000x128xf32, #tpu.memory_space<vmem>>, %arg2: memref<128x128xf32, #tpu.memory_space<vmem>>, %arg3: memref<1x128xf32, #tpu.memory_space<vmem>>, %arg4: memref<1000x128xf32, #tpu.memory_space<vmem>>) attributes {dimension_semantics = [#tpu.dimension_semantics<arbitrary>], iteration_bounds = array<i64: 10>, scalar_prefetch = 0 : i64, scratch_operands = 0 : i64, tpu.core_type = #tpu.core_type<tc>, window_params = [{transform_indices = @transform_0, window_bounds = array<i64: 1000, 128>}, {pipeline_mode = #tpu.pipeline_mode<synchronous>, transform_indices = @transform_1, window_bounds = array<i64: 128, 128>}, {pipeline_mode = #tpu.pipeline_mode<synchronous>, transform_indices = @transform_2, window_bounds = array<i64: 1, 128>}, {transform_indices = @transform_3, window_bounds = array<i64: 1000, 128>}]} {
    %get3A = arith.constant 0 : index
    %get3A_0 = arith.constant 0 : index
    %get3A_1 = vector.load %arg1[%get3A, %get3A_0] : memref<1000x128xf32, #tpu.memory_space<vmem>>, vector<1000x128xf32>
    %get3A_2 = arith.constant 0 : index
    %get3A_3 = arith.constant 0 : index
    %get3A_4 = vector.load %arg2[%get3A_2, %get3A_3] : memref<128x128xf32, #tpu.memory_space<vmem>>, vector<128x128xf32>
    %dot_general3A = arith.constant dense<0.000000e+00> : vector<1000x128xf32>
    %dot_general3A_5 = tpu.matmul %get3A_1, %get3A_4, %dot_general3A {dimension_numbers = #tpu.dot_dimension_numbers<[1], [0], [0], [1], [0, 0, 1, 1], [], []>, transpose_lhs_hint = false} : vector<1000x128xf32>, vector<128x128xf32>, vector<1000x128xf32> -> vector<1000x128xf32>
    %get3A_6 = arith.constant 0 : index
    %get3A_7 = arith.constant 0 : index
    %get3A_8 = vector.load %arg3[%get3A_6, %get3A_7] : memref<1x128xf32, #tpu.memory_space<vmem>>, vector<1x128xf32>
    %add3A = vector.broadcast %get3A_8 : vector<1x128xf32> to vector<1000x128xf32>
    %add3A_9 = arith.addf %dot_general3A_5, %add3A : vector<1000x128xf32>
    %swap3A = arith.constant 0 : index
    %swap3A_10 = arith.constant 0 : index
    %swap3A_11 = vector.load %arg4[%swap3A, %swap3A_10] : memref<1000x128xf32, #tpu.memory_space<vmem>>, vector<1000x128xf32>
    tpu.vector_store %arg4[%swap3A, %swap3A_10], %add3A_9 {strides = array<i32>} : memref<1000x128xf32, #tpu.memory_space<vmem>>, vector<1000x128xf32>,
    return
  }
  func.func @transform_0(%arg0: i32) -> (i32, i32) {
    %c0_i32 = arith.constant 0 : i32
    %c0_i32_0 = arith.constant 0 : i32
    return %arg0, %c0_i32 : i32, i32
  }
  func.func @transform_1(%arg0: i32) -> (i32, i32) {
    %c0_i32 = arith.constant 0 : i32
    %c0_i32_0 = arith.constant 0 : i32
    %c0_i32_1 = arith.constant 0 : i32
    return %c0_i32, %c0_i32_0 : i32, i32
  }
  func.func @transform_2(%arg0: i32) -> (i32, i32) {
    %c0_i32 = arith.constant 0 : i32
    %c0_i32_0 = arith.constant 0 : i32
    %c0_i32_1 = arith.constant 0 : i32
    return %c0_i32, %c0_i32_0 : i32, i32
  }
  func.func @transform_3(%arg0: i32) -> (i32, i32) {
    %c0_i32 = arith.constant 0 : i32
    %c0_i32_0 = arith.constant 0 : i32
    return %arg0, %c0_i32 : i32, i32
  }
}

module attributes {stable_mosaic.version = 14 : i64} {
  func.func @body(%arg0: memref<10000x128xf32, #tpu.memory_space<vmem>>, %arg1: memref<2x10240x128xf32, #tpu.memory_space<vmem>>, %arg2: memref<2x10240xf32, #tpu.memory_space<vmem>>, %arg3: memref<128x128xf32, #tpu.memory_space<vmem>>, %arg4: memref<1x128xf32, #tpu.memory_space<vmem>>, %arg5: memref<1x128xf32, #tpu.memory_space<vmem>>, %arg6: memref<10000x128xf32, #tpu.memory_space<vmem>>) attributes {dimension_semantics = [], scalar_prefetch = 0 : i64, scratch_operands = 0 : i64, tpu.core_type = #tpu.core_type<tc>} {
    %get3A = arith.constant 0 : index
    %get3A_0 = arith.constant 0 : index
    %get3A_1 = arith.constant 0 : index
    %get3A_2 = vector.load %arg1[%get3A, %get3A_0, %get3A_1] : memref<2x10240x128xf32, #tpu.memory_space<vmem>>, vector<1x10000x128xf32>
    %get3A_3 = vector.shape_cast %get3A_2 : vector<1x10000x128xf32> to vector<10000x128xf32>
    %get3A_4 = arith.constant 1 : index
    %get3A_5 = arith.constant 0 : index
    %get3A_6 = arith.constant 0 : index
    %get3A_7 = vector.load %arg1[%get3A_4, %get3A_5, %get3A_6] : memref<2x10240x128xf32, #tpu.memory_space<vmem>>, vector<1x10000x128xf32>
    %get3A_8 = vector.shape_cast %get3A_7 : vector<1x10000x128xf32> to vector<10000x128xf32>
    %add3A = arith.addf %get3A_3, %get3A_8 : vector<10000x128xf32>
    %get3A_9 = arith.constant 0 : index
    %get3A_10 = arith.constant 0 : index
    %get3A_11 = vector.load %arg2[%get3A_9, %get3A_10] : memref<2x10240xf32, #tpu.memory_space<vmem>>, vector<1x10000xf32>
    %get3A_12 = vector.shape_cast %get3A_11 : vector<1x10000xf32> to vector<10000xf32>
    %get3A_13 = arith.constant 1 : index
    %get3A_14 = arith.constant 0 : index
    %get3A_15 = vector.load %arg2[%get3A_13, %get3A_14] : memref<2x10240xf32, #tpu.memory_space<vmem>>, vector<1x10000xf32>
    %get3A_16 = vector.shape_cast %get3A_15 : vector<1x10000xf32> to vector<10000xf32>
    %add3A_17 = arith.addf %get3A_12, %get3A_16 : vector<10000xf32>
    %max3A = arith.constant 1.000000e+00 : f32
    %max3A_18 = vector.broadcast %max3A : f32 to vector<10000xf32>
    %max3A_19 = arith.maximumf %add3A_17, %max3A_18 : vector<10000xf32>
    %broadcast_in_dim3A = vector.shape_cast %max3A_19 : vector<10000xf32> to vector<10000x1xf32>
    %div3A = vector.broadcast %broadcast_in_dim3A : vector<10000x1xf32> to vector<10000x128xf32>
    %div3A_20 = arith.divf %add3A, %div3A : vector<10000x128xf32>
    %get3A_21 = arith.constant 0 : index
    %get3A_22 = arith.constant 0 : index
    %get3A_23 = vector.load %arg0[%get3A_21, %get3A_22] : memref<10000x128xf32, #tpu.memory_space<vmem>>, vector<10000x128xf32>
    %get3A_24 = arith.constant 0 : index
    %get3A_25 = arith.constant 0 : index
    %get3A_26 = vector.load %arg3[%get3A_24, %get3A_25] : memref<128x128xf32, #tpu.memory_space<vmem>>, vector<128x128xf32>
    %dot_general3A = arith.constant dense<0.000000e+00> : vector<10000x128xf32>
    %dot_general3A_27 = tpu.matmul %div3A_20, %get3A_26, %dot_general3A {dimension_numbers = #tpu.dot_dimension_numbers<[1], [0], [0], [1], [0, 0, 1, 1], [], []>, transpose_lhs_hint = false} : vector<10000x128xf32>, vector<128x128xf32>, vector<10000x128xf32> -> vector<10000x128xf32>
    %add3A_28 = arith.addf %get3A_23, %dot_general3A_27 : vector<10000x128xf32>
    %reduce_sum3A = arith.constant dense<0.000000e+00> : vector<128xf32>
    %reduce_sum3A_29 = vector.multi_reduction <add>, %add3A_28, %reduce_sum3A [0] : vector<10000x128xf32> to vector<128xf32>
    %broadcast_in_dim3A_30 = vector.shape_cast %reduce_sum3A_29 : vector<128xf32> to vector<1x128xf32>
    %div3A_31 = arith.constant 1.000000e+04 : f32
    %div3A_32 = vector.broadcast %div3A_31 : f32 to vector<1x128xf32>
    %div3A_33 = arith.divf %broadcast_in_dim3A_30, %div3A_32 : vector<1x128xf32>
    %sub3A = vector.broadcast %div3A_33 : vector<1x128xf32> to vector<10000x128xf32>
    %sub3A_34 = arith.subf %add3A_28, %sub3A : vector<10000x128xf32>
    %integer_pow3A = arith.mulf %sub3A_34, %sub3A_34 : vector<10000x128xf32>
    %reduce_sum3A_35 = arith.constant dense<0.000000e+00> : vector<128xf32>
    %reduce_sum3A_36 = vector.multi_reduction <add>, %integer_pow3A, %reduce_sum3A_35 [0] : vector<10000x128xf32> to vector<128xf32>
    %broadcast_in_dim3A_37 = vector.shape_cast %reduce_sum3A_36 : vector<128xf32> to vector<1x128xf32>
    %div3A_38 = arith.constant 1.000000e+04 : f32
    %div3A_39 = vector.broadcast %div3A_38 : f32 to vector<1x128xf32>
    %div3A_40 = arith.divf %broadcast_in_dim3A_37, %div3A_39 : vector<1x128xf32>
    %get3A_41 = arith.constant 0 : index
    %get3A_42 = arith.constant 0 : index
    %get3A_43 = vector.load %arg4[%get3A_41, %get3A_42] : memref<1x128xf32, #tpu.memory_space<vmem>>, vector<1x128xf32>
    %sub3A_44 = vector.broadcast %div3A_33 : vector<1x128xf32> to vector<10000x128xf32>
    %sub3A_45 = arith.subf %add3A_28, %sub3A_44 : vector<10000x128xf32>
    %mul3A = vector.broadcast %get3A_43 : vector<1x128xf32> to vector<10000x128xf32>
    %mul3A_46 = arith.mulf %mul3A, %sub3A_45 : vector<10000x128xf32>
    %add3A_47 = arith.constant 9.99999974E-6 : f32
    %add3A_48 = vector.broadcast %add3A_47 : f32 to vector<1x128xf32>
    %add3A_49 = arith.addf %div3A_40, %add3A_48 : vector<1x128xf32>
    %rsqrt3A = math.rsqrt %add3A_49 : vector<1x128xf32>
    %mul3A_50 = vector.broadcast %rsqrt3A : vector<1x128xf32> to vector<10000x128xf32>
    %mul3A_51 = arith.mulf %mul3A_46, %mul3A_50 : vector<10000x128xf32>
    %get3A_52 = arith.constant 0 : index
    %get3A_53 = arith.constant 0 : index
    %get3A_54 = vector.load %arg5[%get3A_52, %get3A_53] : memref<1x128xf32, #tpu.memory_space<vmem>>, vector<1x128xf32>
    %add3A_55 = vector.broadcast %get3A_54 : vector<1x128xf32> to vector<10000x128xf32>
    %add3A_56 = arith.addf %mul3A_51, %add3A_55 : vector<10000x128xf32>
    %swap3A = arith.constant 0 : index
    %swap3A_57 = arith.constant 0 : index
    %swap3A_58 = vector.load %arg6[%swap3A, %swap3A_57] : memref<10000x128xf32, #tpu.memory_space<vmem>>, vector<10000x128xf32>
    tpu.vector_store %arg6[%swap3A, %swap3A_57], %add3A_56 {strides = array<i32>} : memref<10000x128xf32, #tpu.memory_space<vmem>>, vector<10000x128xf32>,
    return
  }
}

</mosaic_0001>

<sc_bundles>
// kernel: kernel.11.cloned.1.call-start
scs
__scs_entry_jumppad:
0x0: {  	(pc) =	sbr.rel $0x88, $3  }
0x1: {  	(tag) =	ssettag $0x0;
	lr =	simm.s32 $0x1  }
0x2: {  	[smem:$0x3F95] =	sst lr;
	_ =	strace $0xD0000000  }
0x3: {  	_ = 	snop  }
0x4: {  	_ = 	snop  }
0x5: {  	_ = 	snop  }
0x6: {  	_ = 	snop  }
0x7: {  	_ = 	snop  }
__scs_overlays_trampoline_lowered:
0x8: {  	[smem:$0x3FA4] =	sst s0  }
0x9: {  	[smem:$0x3FA5] =	sst s1  }
0xa: {  	[smem:$0x3FA6] =	sst s2  }
0xb: {  	[smem:$0x3FA7] =	sst s3  }
0xc: {  	[smem:$0x3FA8] =	sst s4  }
0xd: {  	[smem:$0x3FA9] =	sst s5  }
0xe: {  	[smem:$0x3FAA] =	sst s6  }
0xf: {  	[smem:$0x3FAB] =	sst s7  }
0x10: {  	[smem:$0x3FAC] =	sst s8  }
0x11: {  	[smem:$0x3FAD] =	sst s9;
	s0 =	simm.s32 @!p0 $0x0  }
0x12: {  	s1 =	sld [smem:$0x3F93];
	s0 =	simm.s32 @p0 $0x1  }
0x13: {  	[smem:$0x3FAE] =	sst s0;
	s0 =	simm.s32 @!p1 $0x0  }
0x14: {  	s2 =	sld [smem:$0x3F92];
	s0 =	simm.s32 @p1 $0x1  }
0x15: {  	[smem:$0x3FAF] =	sst s0;
	s0 =	simm.s32 @!p2 $0x0  }
0x16: {  	s3 =	sld [smem:$0x3FDB];
	s0 =	simm.s32 @p2 $0x1  }
0x17: {  	s4 =	simm.s32 $0x1BF5;
	[smem:$0x3FB1] =	sst s0  }
0x18: {  	s0 =	sld [smem:$0x3F94];
	_ =	swait.ge [sflag:s4], $0x0  }
0x19: {  	s7 =	sld [smem:$0x3F95]  }
0x1a: {  	s8 =	sadd.s32 $0xFFFFE003, lr  }
0x1b: {  	s9 =	sadd.s32 $0xFFFFFEF7, lr;
	s5 =	simm.s32 $0xFFFFFFFF;
	p2 =	slt.u32 s8, $0xFFFFF086  }
0x1c: {  	p1 =	slt.u32 s9, $0xF7A;
	s5 =	simm.s32 @!p2 $0x0  }
0x1d: {  	s5 =	simm.s32 @p1 $0x1;
	p0 =	seq.s32 s7, s2  }
0x1e: {  	s7 =	smul.u32 @!p0 $0xF7A, s2;
	p2 =	seq.s32 @!p0 s5, $0x0  }
0x1f: {  	s9 =	smul.u32 $0xF7A, s1;
	s8 =	simm.s32 @!p0 $0x1BF5;
	p2 =	por !p2, p0  }
0x20: {  	[sflag:s8] =	ssyncset.s32 @!p0 $0xFFFFF086;
	s6 =	sadd.s32 @!p0 s3, s7;
	s7 =	simm.s32 @!p0 $0x108  }
0x21: {  	s3 =	sadd.s32 s3, s9;
	s6 =	sadd.s32 @!p0 $0x88, s6;
	s7 =	simm.s32 @p2 $0x1082  }
0x22: {  	[simem:s7], [sflag:s8] =	dma.local @!p0 [hbm:s6], $0xF7A  }
0x23: {  	s9 =	sor.u32 $0xD0000000, s2;
	s6 =	simm.s32 $0x108;
	_ =	swait.ge @!p0 [sflag:s8], $0x0  }
0x24: {  	s3 =	sadd.s32 $0x88, s3;
	s6 =	simm.s32 @!p1 $0x1082;
	[sflag:s4] =	ssyncset.s32 $0xFFFFF086  }
0x25: {  	[simem:s6], [sflag:s4] =	dma.local [hbm:s3], $0xF7A  }
0x26: {  	[smem:$0x3F95] =	sst s1;
	(tag) =	ssettag s2;
	_ =	strace s9  }
0x27: {  	s1 =	sld [smem:$0x3FA5]  }
0x28: {  	s2 =	sld [smem:$0x3FA6]  }
0x29: {  	s4 =	sld [smem:$0x3FA8]  }
0x2a: {  	p0 =	seq.s32 s5, $0x0;
	s5 =	sld [smem:$0x3FA9]  }
0x2b: {  	s6 =	sld [smem:$0x3FAA]  }
0x2c: {  	s7 =	sld [smem:$0x3FAB]  }
0x2d: {  	s3 =	simm.s32 $0x108;
	s8 =	sld [smem:$0x3FAC]  }
0x2e: {  	s3 =	simm.s32 @!p0 $0x1082;
	s9 =	sld [smem:$0x3FAD]  }
0x2f: {  	lr =	sadd.s32 s0, s3;
	s0 =	sld [smem:$0x3FA4]  }
0x30: {  	s3 =	sld [smem:$0x3FA7]  }
0x31: {  	[smem:$0x3FB0] =	sst s10  }
0x32: {  	s10 =	sld [smem:$0x3FAE];
	_ =	sdelay $0x3  }
0x33: {  	p0 =	seq.s32 s10, $0x1;
	s10 =	sld [smem:$0x3FB0];
	_ =	sdelay $0x3  }
0x34: {  	[smem:$0x3FB0] =	sst s10  }
0x35: {  	s10 =	sld [smem:$0x3FAF];
	_ =	sdelay $0x3  }
0x36: {  	p1 =	seq.s32 s10, $0x1;
	s10 =	sld [smem:$0x3FB0];
	_ =	sdelay $0x3  }
0x37: {  	[smem:$0x3FB0] =	sst s10  }
0x38: {  	s10 =	sld [smem:$0x3FB1]  }
0x39: {  	_ = 	snop;
	(pc) =	sbr.ind lr, $3  }
0x3a: {  	_ = 	snop  }
0x3b: {  	_ = 	snop  }
0x3c: {  	p2 =	seq.s32 s10, $0x1;
	s10 =	sld [smem:$0x3FB0]  }
0x3d: {  	_ =	shalt  }
0x3e: {  	_ =	shalt  }
0x3f: {  	_ =	shalt  }
0x40: {  	_ =	shalt  }
0x41: {  	_ =	shalt  }
0x42: {  	_ =	shalt  }
0x43: {  	_ =	shalt  }
0x44: {  	_ =	shalt  }
0x45: {  	_ =	shalt  }
0x46: {  	_ =	shalt  }
0x47: {  	_ =	shalt  }
0x48: {  	_ =	shalt  }
0x49: {  	_ =	shalt  }
0x4a: {  	_ =	shalt  }
0x4b: {  	_ =	shalt  }
0x4c: {  	_ =	shalt  }
0x4d: {  	_ =	shalt  }
0x4e: {  	_ =	shalt  }
0x4f: {  	_ =	shalt  }
0x50: {  	_ =	shalt  }
0x51: {  	_ =	shalt  }
0x52: {  	_ =	shalt  }
0x53: {  	_ =	shalt  }
0x54: {  	_ =	shalt  }
0x55: {  	_ =	shalt  }
0x56: {  	_ =	shalt  }
0x57: {  	_ =	shalt  }
0x58: {  	_ =	shalt  }
0x59: {  	_ =	shalt  }
0x5a: {  	_ =	shalt  }
0x5b: {  	_ =	shalt  }
0x5c: {  	_ =	shalt  }
0x5d: {  	_ =	shalt  }
0x5e: {  	_ =	shalt  }
0x5f: {  	_ =	shalt  }
0x60: {  	_ =	shalt  }
0x61: {  	_ =	shalt  }
0x62: {  	_ =	shalt  }
0x63: {  	_ =	shalt  }
0x64: {  	_ =	shalt  }
0x65: {  	_ =	shalt  }
0x66: {  	_ =	shalt  }
0x67: {  	_ =	shalt  }
0x68: {  	_ =	shalt  }
0x69: {  	_ =	shalt  }
0x6a: {  	_ =	shalt  }
0x6b: {  	_ =	shalt  }
0x6c: {  	_ =	shalt  }
0x6d: {  	_ =	shalt  }
0x6e: {  	_ =	shalt  }
0x6f: {  	_ =	shalt  }
0x70: {  	_ =	shalt  }
0x71: {  	_ =	shalt  }
0x72: {  	_ =	shalt  }
0x73: {  	_ =	shalt  }
0x74: {  	_ =	shalt  }
0x75: {  	_ =	shalt  }
0x76: {  	_ =	shalt  }
0x77: {  	_ =	shalt  }
0x78: {  	_ =	shalt  }
0x79: {  	_ =	shalt  }
0x7a: {  	_ =	shalt  }
0x7b: {  	_ =	shalt  }
0x7c: {  	_ =	shalt  }
0x7d: {  	_ =	shalt  }
0x7e: {  	_ =	shalt  }
0x7f: {  	_ =	shalt  }
0x80: {  	_ =	shalt  }
0x81: {  	_ =	shalt  }
0x82: {  	_ =	shalt  }
0x83: {  	_ =	shalt  }
0x84: {  	_ =	shalt  }
0x85: {  	_ =	shalt  }
0x86: {  	_ =	shalt  }
0x87: {  	_ =	shalt  }
.Lfunc_end0:
.L_simem_size_0:
called_computation.1_lowered:
.L_overlay_start_0:
0x88: {  	s2 =	sld [smem:$0x3FD9]  }
0x89: {  	s3 =	sld [smem:$0x3FFE];
	_ =	sdelay $0x1  }
0x8a: {  	s1 =	srdreg.scid  }
0x8b: {  	s0 =	sand.u32 $0x1, s1  }
0x8c: {  	s17 =	sshll.u32 s0, $0xA;
	s2 =	sadd.s32 s3, s2  }
0x8d: {  	s2 =	sadd.s32 s2, s17  }
0x8e: {  	[smem:$0x3FBC] =	sst s2  }
0x8f: {  	_ = 	snop  }
0x90: {  	s2 =	sld [smem:$0x3FD0];
	(tm) =	ssettm $0x1  }
0x91: {  	s18 =	sld [smem:$0x3FFB];
	_ =	sdelay $0x3  }
0x92: {  	_ =	strace s18  }
0x93: {  	s3 =	sld [smem:$0x3FFC];
	_ =	sdelay $0x3  }
0x94: {  	_ =	strace s3  }
0x95: {  	s3 =	sld [smem:$0x3FFD];
	_ =	sdelay $0x3  }
0x96: {  	_ =	strace s3  }
0x97: {  	_ =	strace $0x8FFFFFFF  }
0x98: {  	s19 =	sld [smem:$0x3FDB];
	_ =	sdelay $0x1  }
0x99: {  	s4 =	simm.s32 $_scs_section_size  }
0x9a: {  	s5 =	simm.s32 $_size__tile_overlayer_lowered;
	s6 =	simm.s32 $_tile_overlayer_lowered  }
0x9b: {  	s22 =	simm.s32 $0x1BFF;
	s21 =	sshll.u32 s6, $0x1;
	s3 =	sadd.s32 s4, s19  }
0x9c: {  	s7 =	simm.s32 $0x0;
	s20 =	sshll.u32 s5, $0x1;
	s5 =	sadd.s32 s21, s3  }
0x9d: {  	[timem:s7], [sflag:s22] =	dma.local [hbm:s5], s20  }
0x9e: {  	_ =	swait.ge [sflag:s22], s20  }
0x9f: {  	s4 =	ssub.s32 $0x0, s20;
	[sflag:s22] =	ssyncset.done $0x0  }
0xa0: {  	[sflag:s22] =	ssyncadd.s32 s4;
	_ =	sdelay $0x1  }
0xa1: {  	s23 =	simm.s32 $0x1B8B  }
0xa2: {  	_ =	swait.ge [sflag:s23], $0x1  }
0xa3: {  	[sflag:s23] =	ssyncset.done $0x0  }
0xa4: {  	s25 =	simm.s32 $0x1B8E;
	s24 =	sld [smem:$0x3FFE];
	[sflag:s23] =	ssyncadd.s32 $0xFFFFFFFF  }
0xa5: {  	s26 =	simm.s32 $execute0_lowered;
	[smem:$0x3FD2] =	sst s25  }
0xa6: {  	s5 =	sshll.u32 s26, $0x1;
	_ =	strace $0x80000049;
	[dreg:$0x1] =	wrdreg $0xFFFFFFFF  }
0xa7: {  	s28 =	simm.s32 $_size_execute0_lowered;
	s3 =	sadd.s32 s3, s5;
	[dreg:$0x0] =	wrdreg $0x0  }
0xa8: {  	s5 =	sshll.u32 s28, $0x1;
	[dreg:$0x2] =	wrdreg s3  }
0xa9: {  	[dreg:$0x3] =	wrdreg s5  }
0xaa: {  	[dreg:$0x4] =	wrdreg $0xC0  }
0xab: {  	_ =	task [dreg:s7], $0x5FFFF  }
0xac: {  	[dreg:$0x1] =	wrdreg $0xFFFFFFFF  }
0xad: {  	[dreg:$0x0] =	wrdreg $0x60  }
0xae: {  	[dreg:$0x2] =	wrdreg s2  }
0xaf: {  	[dreg:$0x3] =	wrdreg s24  }
0xb0: {  	[dreg:$0x4] =	wrdreg $0x0  }
0xb1: {  	[dreg:$0x5] =	wrdreg $0x9  }
0xb2: {  	_ =	task.clear_ibuf [dreg:s7], $0x6FFFF;
	_ =	strace $0x90000049  }
0xb3: {  	s29 =	simm.s32 $0x9;
	_ =	strace $0x8000004B  }
0xb4: {  	_ =	swait.ge [sflag:s29], $0x1  }
0xb5: {  	[sflag:s29] =	ssyncadd.s32 $0xFFFFFFFF  }
0xb6: {  	_ =	strace $0x9000004B  }
0xb7: {  	_ =	sfence  }
0xb8: {  	s30 =	sld [smem:$0x0];
	_ =	sdelay $0x2  }
0xb9: {  	s31 =	sshll.u32 s1, $0xD;
	s1 =	sshrl.u32 s1, $0x2  }
0xba: {  	s3 =	sand.u32 $0x4000, s31;
	s1 =	sadd.s32 s1, s30  }
0xbb: {  	s0 =	sor.u32 s3, s0;
	s1 =	sshll.u32 s1, $0x11  }
0xbc: {  	s0 =	sor.u32 s1, s0  }
0xbd: {  	s0 =	sadd.s32 $0x8F2B, s0  }
0xbe: {  	[sflag:s0] =	ssyncadd.remote.s32 $0x1  }
0xbf: {  	_ =	sfence.sel $0xFFFF  }
0xc0: {  	[dreg:$0x0] =	wrdreg $0xFFFFFFFF;
	(pc) =	sbr.abs _section_cstart, $3  }
0xc1: {  	[dreg:$0x1] =	wrdreg $0xFFFFFFFF  }
0xc2: {  	_ =	task.clear_ibuf [dreg:s7], $0x2FFFF;
	_ =	strace $0x9FFFFFFF  }
0xc3: {  	(tm) =	ssettm $0x7FFFFFFF  }
tec
execute0_lowered:
.L_overlay_start_1:
0x0: {  	(tag) =	ssettag $0x1  }
0x1: {  	s2 =	rddreg [dreg:$0x0]  }
0x2: {  	s0 =	rddreg [dreg:$0x1]  }
0x3: {  	s3 =	rddreg [dreg:$0x2];
	s1 =	srdreg.scid  }
0x4: {  	s11 =	stileid.u32;
	s4 =	simm.s32 $0x0;
	s28 =	simm.s32 $0x5  }
0x5: {  	s29 =	simm.s32 $0x6;
	s30 =	simm.s32 $0x9;
	s6 =	smul.u32 $0x14000, s11  }
0x6: {  	s31 =	simm.s32 $0x1DF10;
	s1 =	sand.u32 $0x1, s1;
	s9 =	smul.u32 $0x50000, s11  }
0x7: {  	s7 =	sshll.u32 s11, $0x1;
	[smem:$0x7FF] =	sst s4;
	s15 =	smul.u32 $0x4E20, s11  }
0x8: {  	s10 =	sadd.s32 $0x3000, s0;
	s11 =	simm.s32 $0x1B710;
	s5 =	smul.u32 $0x140000, s1  }
0x9: {  	s7 =	sor.u32 s1, s7;
	s8 =	ssub.s32 $0x2, s1;
	s1 =	smul.u32 $0x2710, s1  }
0xa: {  	_ =	strace $0x8000004A;
	s7 =	smul.u32 $0x2710, s7;
	s22 =	sshrl.u32 s8, $0x1  }
0xb: {  	s24 =	sshrl.u32 s9, $0x2;
	s9 =	simm.s32 $0x1;
	s5 =	sadd.s32 s6, s5  }
0xc: {  	s8 =	ssub.s32 s8, s22;
	s6 =	sadd.s32 s6, s3;
	s21 =	sadd.s32 s1, s15  }
0xd: {  	s23 =	sshrl.u32 s7, $0x3;
	s7 =	sadd.s32 s24, s3;
	s19 =	smax.u32 s8, $0x1  }
0xe: {  	s15 =	simm.s32 $0x0;
	s25 =	sadd.s32 $0x2800, s7;
	[dreg:$0xe] =	wrdreg s19  }
0xf: {  	s5 =	sshrl.u32 s5, $0x3;
	s26 =	sadd.s32 $0x5000, s7;
	[dreg:$0x4] =	wrdreg s25  }
0x10: {  	s24 =	sadd.s32 $0x4E430, s21;
	s12 =	sadd.s32 $0x7800, s7;
	[dreg:$0x5] =	wrdreg s26  }
0x11: {  	s8 =	simm.s32 $0x7;
	s13 =	sadd.s32 $0xA000, s7;
	[dreg:$0x6] =	wrdreg s12  }
0x12: {  	s0 =	sadd.s32 s5, s0;
	s14 =	sadd.s32 $0xC800, s7;
	[dreg:$0x7] =	wrdreg s13  }
0x13: {  	s5 =	sadd.s32 s10, s23;
	s16 =	sadd.s32 $0xF000, s7;
	[dreg:$0x8] =	wrdreg s14  }
0x14: {  	s7 =	sadd.s32 $0x11800, s7;
	s1 =	sshrl.u32 s24, $0x3;
	[dreg:$0x9] =	wrdreg s16  }
0x15: {  	s24 =	simm.s32 $0x14000;
	[dreg:$0xa] =	wrdreg s7;
	s17 =	sadd.s32 $0x9C40, s5  }
0x16: {  	s18 =	sadd.s32 $0x9C4A, s5;
	s0 =	sadd.s32 $0x16A00, s0;
	[dreg:$0xb] =	wrdreg s17  }
0x17: {  	s20 =	sadd.s32 $0x9C54, s5;
	s22 =	sadd.s32 $0x9C5E, s5;
	[dreg:$0xc] =	wrdreg s18  }
0x18: {  	s23 =	sadd.s32 $0x9C68, s5;
	s25 =	sadd.s32 $0x4E3E0, s21;
	[dreg:$0xd] =	wrdreg s0  }
0x19: {  	s7 =	simm.s32 $0x18F10;
	s12 =	simm.s32 $0x8;
	[dreg:$0xf] =	wrdreg s20  }
0x1a: {  	s13 =	simm.s32 $0x2;
	s14 =	simm.s32 $0x3;
	[dreg:$0x10] =	wrdreg s22  }
0x1b: {  	[dreg:$0x11] =	wrdreg s23;
	s0 =	sadd.s32 $0x4E390, s21;
	s21 =	sadd.s32 s1, s10  }
0x1c: {  	s26 =	sshrl.u32 s25, $0x3;
	s25 =	simm.s32 $0x16710;
	s1 =	simm.s32 $0x1DF60  }
0x1d: {  	s0 =	sshrl.u32 s0, $0x3;
	s22 =	sadd.s32 s26, s10;
	s26 =	simm.s32 $0x4  }
0x1e: {  	v0 =	vimm.f32 $0.0e+00;
	s23 =	sadd.s32 s0, s10;
	s0 =	simm.s32 $0x50;
	s10 =	simm.s32 $0x1DFB0  }
.LBB2_1:
0x1f: {  	[tilespmem:s24], [sflag:$0x9] =	stream.linear.gather [hbm4b:s5+s4], $0x2710, $0x38;
	[tilespmem:$0x1E000] =	vst v63  }
0x20: {  	s16 =	simm.s32 $0x0;
	s17 =	simm.s32 $0x200  }
.LBB2_2:
0x21: {  	p0 =	sne.s32 s17, $0x9E00;
	[tilespmem:s16+$0x16780] =	vst v0  }
0x22: {  	[tilespmem:s16+$0x16710] =	vst v0  }
0x23: {  	[tilespmem:s16+$0x16720] =	vst v0  }
.Ltmp0:
0x24: {  	[tilespmem:s16+$0x16730] =	vst v0;
	(pc) =	sbr.rel @p0 .LBB2_2-.Ltmp0, $4  }
0x25: {  	[tilespmem:s16+$0x16740] =	vst v0  }
0x26: {  	[tilespmem:s16+$0x16750] =	vst v0  }
0x27: {  	[tilespmem:s16+$0x16760] =	vst v0  }
0x28: {  	[tilespmem:s16+$0x16770] =	vst v0;
	s16 =	sshra.s32 s17, $0x2;
	s17 =	sadd.s32 $0x200, s17  }
0x29: {  	[tilespmem:s16+$0x16780] =	vst v0  }
0x2a: {  	[tilespmem:s16+$0x16710] =	vst v0  }
0x2b: {  	[tilespmem:s16+$0x16720] =	vst v0  }
0x2c: {  	[tilespmem:s16+$0x16730] =	vst v0  }
0x2d: {  	[tilespmem:s16+$0x16740] =	vst v0  }
0x2e: {  	[tilespmem:s16+$0x16750] =	vst v0  }
0x2f: {  	[tilespmem:s16+$0x16760] =	vst v0  }
0x30: {  	[tilespmem:s16+$0x16770] =	vst v0  }
0x31: {  	[spmem:s6] =	stream.linear.scatter [tilespmem:s25], [sflag:$0x4], $0x2800, $0x38;
	[tilespmem:$0x1E000] =	vst v63  }
0x32: {  	s19 =	rddreg [dreg:$0x4]  }
0x33: {  	[spmem:s19] =	stream.linear.scatter [tilespmem:s25], [sflag:$0x5], $0x2800, $0x38;
	[tilespmem:$0x1E000] =	vst v63  }
0x34: {  	s20 =	rddreg [dreg:$0x5]  }
0x35: {  	[spmem:s20] =	stream.linear.scatter [tilespmem:s25], [sflag:$0x6], $0x2800, $0x38;
	[tilespmem:$0x1E000] =	vst v63  }
0x36: {  	s17 =	rddreg [dreg:$0x6]  }
0x37: {  	[spmem:s17] =	stream.linear.scatter [tilespmem:s25], [sflag:$0x4], $0x2800, $0x38;
	[tilespmem:$0x1E000] =	vst v63  }
0x38: {  	s18 =	rddreg [dreg:$0x7]  }
0x39: {  	[spmem:s18] =	stream.linear.scatter [tilespmem:s25], [sflag:$0x5], $0x2800, $0x38;
	[tilespmem:$0x1E000] =	vst v63  }
0x3a: {  	s19 =	rddreg [dreg:$0x8]  }
0x3b: {  	[spmem:s19] =	stream.linear.scatter [tilespmem:s25], [sflag:$0x6], $0x2800, $0x38;
	[tilespmem:$0x1E000] =	vst v63  }
0x3c: {  	s20 =	rddreg [dreg:$0x9]  }
0x3d: {  	[spmem:s20] =	stream.linear.scatter [tilespmem:s25], [sflag:$0x4], $0x2800, $0x38;
	[tilespmem:$0x1E000] =	vst v63  }
0x3e: {  	s17 =	rddreg [dreg:$0xa]  }
0x3f: {  	[spmem:s17] =	stream.linear.scatter [tilespmem:s25], [sflag:$0x5], $0x2800, $0x38;
	[tilespmem:$0x1E000] =	vst v63  }
0x40: {  	_ =	swait.ge [sflag:s26], $0x2800  }
0x41: {  	[sflag:s26] =	ssyncset.done $0x0  }
0x42: {  	[sflag:s26] =	ssyncadd.s32 $0xFFFFD800  }
0x43: {  	_ =	swait.ge [sflag:s28], $0x2800  }
0x44: {  	[sflag:s28] =	ssyncset.done $0x0  }
0x45: {  	[sflag:s28] =	ssyncadd.s32 $0xFFFFD800  }
0x46: {  	_ =	swait.ge [sflag:s29], $0x2800  }
0x47: {  	[sflag:s29] =	ssyncset.done $0x0  }
0x48: {  	[sflag:s29] =	ssyncadd.s32 $0xFFFFD800  }
0x49: {  	_ =	swait.ge [sflag:s26], $0x2800  }
0x4a: {  	[sflag:s26] =	ssyncset.done $0x0  }
0x4b: {  	[sflag:s26] =	ssyncadd.s32 $0xFFFFD800  }
0x4c: {  	_ =	swait.ge [sflag:s28], $0x2800  }
0x4d: {  	[sflag:s28] =	ssyncset.done $0x0  }
0x4e: {  	[sflag:s28] =	ssyncadd.s32 $0xFFFFD800  }
0x4f: {  	_ =	swait.ge [sflag:s29], $0x2800  }
0x50: {  	[sflag:s29] =	ssyncset.done $0x0  }
0x51: {  	[sflag:s29] =	ssyncadd.s32 $0xFFFFD800  }
0x52: {  	_ =	swait.ge [sflag:s26], $0x2800  }
0x53: {  	[sflag:s26] =	ssyncset.done $0x0  }
0x54: {  	[sflag:s26] =	ssyncadd.s32 $0xFFFFD800  }
0x55: {  	_ =	swait.ge [sflag:s28], $0x2800  }
0x56: {  	[sflag:s28] =	ssyncset.done $0x0  }
0x57: {  	[sflag:s28] =	ssyncadd.s32 $0xFFFFD800  }
0x58: {  	_ =	swait.ge [sflag:s30], $0x2710  }
0x59: {  	[sflag:s30] =	ssyncset.done $0x0  }
0x5a: {  	[sflag:s30] =	ssyncadd.s32 $0xFFFFD8F0  }
0x5b: {  	[bflag:$0x0] =	sbarrier.arrive $0xFFFF  }
0x5c: {  	s16 =	simm.s32 $0x0;
	s17 =	rddreg [dreg:$0xb]  }
0x5d: {  	[tilespmem:s31], [sflag:$0x7] =	stream.linear.gather [hbm4b:s17+s16], $0x50, $0x38;
	[tilespmem:$0x1E000] =	vst v63  }
0x5e: {  	_ = 	snop  }
0x5f: {  	[tilespmem:s25], [sflag:$0x1] =	stream.indirect.gather [hbm4b:s2+s0], $0x80, s24, s0, $0xb8;
	[tilespmem:$0x1E000] =	vst v63  }
0x60: {  	s18 =	rddreg [dreg:$0xc]  }
0x61: {  	[tilespmem:s1], [sflag:$0x8] =	stream.linear.gather [hbm4b:s18+s16], $0x50, $0x38;
	[tilespmem:$0x1E000] =	vst v63  }
0x62: {  	s19 =	simm.s32 $0x14050  }
0x63: {  	[tilespmem:s7], [sflag:$0x2] =	stream.indirect.gather [hbm4b:s2+s0], $0x80, s19, s0, $0xb8;
	[tilespmem:$0x1E000] =	vst v63  }
0x64: {  	_ =	swait.ge [sflag:s8], $0x50  }
0x65: {  	[sflag:s8] =	ssyncset.done $0x0  }
0x66: {  	[sflag:s8] =	ssyncadd.s32 $0xFFFFFFB0  }
0x67: {  	_ =	swait.ge [sflag:s9], $0x2800  }
0x68: {  	[sflag:s9] =	ssyncset.done $0x0  }
0x69: {  	[sflag:s9] =	ssyncadd.s32 $0xFFFFD800  }
0x6a: {  	[spmem:s3] =	stream.indirect.scatter.add.f32 [tilespmem:s25], [sflag:$0x4], $0x80, s31, s0, $0xb8;
	[tilespmem:$0x1E000] =	vst v63  }
0x6b: {  	s20 =	rddreg [dreg:$0xf]  }
0x6c: {  	[tilespmem:s10], [sflag:$0x9] =	stream.linear.gather [hbm4b:s20+s16], $0x50, $0x38;
	[tilespmem:$0x1E000] =	vst v63  }
0x6d: {  	s18 =	simm.s32 $0x140A0  }
0x6e: {  	[tilespmem:s11], [sflag:$0x3] =	stream.indirect.gather [hbm4b:s2+s0], $0x80, s18, s0, $0xb8;
	[tilespmem:$0x1E000] =	vst v63  }
0x6f: {  	_ =	swait.ge [sflag:s12], $0x50  }
0x70: {  	[sflag:s12] =	ssyncset.done $0x0  }
0x71: {  	[sflag:s12] =	ssyncadd.s32 $0xFFFFFFB0  }
0x72: {  	_ =	swait.ge [sflag:s13], $0x2800  }
0x73: {  	[sflag:s13] =	ssyncset.done $0x0  }
0x74: {  	[sflag:s13] =	ssyncadd.s32 $0xFFFFD800  }
0x75: {  	[spmem:s3] =	stream.indirect.scatter.add.f32 [tilespmem:s7], [sflag:$0x5], $0x80, s1, s0, $0xb8;
	[tilespmem:$0x1E000] =	vst v63  }
0x76: {  	_ =	swait.ge [sflag:s26], $0x2800  }
0x77: {  	[sflag:s26] =	ssyncset.done $0x0  }
0x78: {  	s19 =	rddreg [dreg:$0x10];
	[sflag:s26] =	ssyncadd.s32 $0xFFFFD800  }
0x79: {  	[tilespmem:s31], [sflag:$0x7] =	stream.linear.gather [hbm4b:s19+s16], $0x50, $0x38;
	[tilespmem:$0x1E000] =	vst v63  }
0x7a: {  	s20 =	simm.s32 $0x140F0  }
0x7b: {  	[tilespmem:s25], [sflag:$0x1] =	stream.indirect.gather [hbm4b:s2+s0], $0x80, s20, s0, $0xb8;
	[tilespmem:$0x1E000] =	vst v63  }
0x7c: {  	_ =	swait.ge [sflag:s30], $0x50  }
0x7d: {  	[sflag:s30] =	ssyncset.done $0x0  }
0x7e: {  	[sflag:s30] =	ssyncadd.s32 $0xFFFFFFB0  }
0x7f: {  	_ =	swait.ge [sflag:s14], $0x2800  }
0x80: {  	[sflag:s14] =	ssyncset.done $0x0  }
0x81: {  	[sflag:s14] =	ssyncadd.s32 $0xFFFFD800  }
0x82: {  	[spmem:s3] =	stream.indirect.scatter.add.f32 [tilespmem:s11], [sflag:$0x6], $0x80, s10, s0, $0xb8;
	[tilespmem:$0x1E000] =	vst v63  }
0x83: {  	_ =	swait.ge [sflag:s28], $0x2800  }
0x84: {  	[sflag:s28] =	ssyncset.done $0x0  }
0x85: {  	s18 =	rddreg [dreg:$0x11];
	[sflag:s28] =	ssyncadd.s32 $0xFFFFD800  }
0x86: {  	[tilespmem:s1], [sflag:$0x8] =	stream.linear.gather [hbm4b:s18+s16], $0x50, $0x38;
	[tilespmem:$0x1E000] =	vst v63  }
0x87: {  	s19 =	simm.s32 $0x14140  }
0x88: {  	[tilespmem:s7], [sflag:$0x2] =	stream.indirect.gather [hbm4b:s2+s0], $0x80, s19, s0, $0xb8;
	[tilespmem:$0x1E000] =	vst v63  }
0x89: {  	_ =	swait.ge [sflag:s8], $0x50  }
0x8a: {  	[sflag:s8] =	ssyncset.done $0x0  }
0x8b: {  	[sflag:s8] =	ssyncadd.s32 $0xFFFFFFB0  }
0x8c: {  	_ =	swait.ge [sflag:s9], $0x2800  }
0x8d: {  	[sflag:s9] =	ssyncset.done $0x0  }
0x8e: {  	[sflag:s9] =	ssyncadd.s32 $0xFFFFD800  }
0x8f: {  	[spmem:s3] =	stream.indirect.scatter.add.f32 [tilespmem:s25], [sflag:$0x4], $0x80, s31, s0, $0xb8;
	[tilespmem:$0x1E000] =	vst v63  }
0x90: {  	_ =	swait.ge [sflag:s29], $0x2800  }
0x91: {  	[sflag:s29] =	ssyncset.done $0x0  }
0x92: {  	s20 =	sadd.s32 $0x0, s23;
	[sflag:s29] =	ssyncadd.s32 $0xFFFFD800  }
0x93: {  	[tilespmem:s10], [sflag:$0x9] =	stream.linear.gather [hbm4b:s20+s4], $0x50, $0x38;
	[tilespmem:$0x1E000] =	vst v63  }
0x94: {  	s17 =	simm.s32 $0x14190  }
0x95: {  	[tilespmem:s11], [sflag:$0x3] =	stream.indirect.gather [hbm4b:s2+s0], $0x80, s17, s0, $0xb8;
	[tilespmem:$0x1E000] =	vst v63  }
0x96: {  	_ =	swait.ge [sflag:s12], $0x50  }
0x97: {  	[sflag:s12] =	ssyncset.done $0x0  }
0x98: {  	[sflag:s12] =	ssyncadd.s32 $0xFFFFFFB0  }
0x99: {  	_ =	swait.ge [sflag:s13], $0x2800  }
0x9a: {  	[sflag:s13] =	ssyncset.done $0x0  }
0x9b: {  	[sflag:s13] =	ssyncadd.s32 $0xFFFFD800  }
0x9c: {  	[spmem:s3] =	stream.indirect.scatter.add.f32 [tilespmem:s7], [sflag:$0x5], $0x80, s1, s0, $0xb8;
	[tilespmem:$0x1E000] =	vst v63  }
0x9d: {  	_ =	swait.ge [sflag:s26], $0x2800  }
0x9e: {  	[sflag:s26] =	ssyncset.done $0x0  }
0x9f: {  	s18 =	sadd.s32 $0x0, s22;
	[sflag:s26] =	ssyncadd.s32 $0xFFFFD800  }
0xa0: {  	[tilespmem:s31], [sflag:$0x7] =	stream.linear.gather [hbm4b:s18+s4], $0x50, $0x38;
	[tilespmem:$0x1E000] =	vst v63  }
0xa1: {  	s19 =	simm.s32 $0x141E0  }
0xa2: {  	[tilespmem:s25], [sflag:$0x1] =	stream.indirect.gather [hbm4b:s2+s0], $0x80, s19, s0, $0xb8;
	[tilespmem:$0x1E000] =	vst v63  }
0xa3: {  	_ =	swait.ge [sflag:s30], $0x50  }
0xa4: {  	[sflag:s30] =	ssyncset.done $0x0  }
0xa5: {  	[sflag:s30] =	ssyncadd.s32 $0xFFFFFFB0  }
0xa6: {  	_ =	swait.ge [sflag:s14], $0x2800  }
0xa7: {  	[sflag:s14] =	ssyncset.done $0x0  }
0xa8: {  	[sflag:s14] =	ssyncadd.s32 $0xFFFFD800  }
0xa9: {  	[spmem:s3] =	stream.indirect.scatter.add.f32 [tilespmem:s11], [sflag:$0x6], $0x80, s10, s0, $0xb8;
	[tilespmem:$0x1E000] =	vst v63  }
0xaa: {  	_ =	swait.ge [sflag:s28], $0x2800  }
0xab: {  	s16 =	simm.s32 $0x14230;
	s20 =	sadd.s32 $0x0, s21;
	[sflag:s28] =	ssyncset.done $0x0  }
0xac: {  	s17 =	simm.s32 $0x1E;
	s18 =	simm.s32 $0x14320;
	[sflag:s28] =	ssyncadd.s32 $0xFFFFD800  }
0xad: {  	[tilespmem:s1], [sflag:$0x8] =	stream.linear.gather [hbm4b:s20+s4], $0x50, $0x38;
	[tilespmem:$0x1E000] =	vst v63  }
.LBB2_4:
0xae: {  	[tilespmem:s7], [sflag:$0x2] =	stream.indirect.gather [hbm4b:s2+s0], $0x80, s16, s0, $0xb8;
	[tilespmem:$0x1E000] =	vst v63  }
0xaf: {  	s19 =	smov.u32 s17;
	s16 =	smov.u32 s18  }
0xb0: {  	p0 =	sne.s32 s17, $0x492;
	s17 =	sadd.s32 $0x1E, s17;
	_ =	swait.ge [sflag:s8], $0x50  }
0xb1: {  	[sflag:s8] =	ssyncset.done $0x0  }
0xb2: {  	[sflag:s8] =	ssyncadd.s32 $0xFFFFFFB0  }
0xb3: {  	_ =	swait.ge [sflag:s9], $0x2800  }
0xb4: {  	[sflag:s9] =	ssyncset.done $0x0  }
0xb5: {  	[sflag:s9] =	ssyncadd.s32 $0xFFFFD800  }
0xb6: {  	[spmem:s3] =	stream.indirect.scatter.add.f32 [tilespmem:s25], [sflag:$0x4], $0x80, s31, s0, $0xb8;
	[tilespmem:$0x1E000] =	vst v63  }
0xb7: {  	_ =	swait.ge [sflag:s29], $0x2800  }
0xb8: {  	[sflag:s29] =	ssyncset.done $0x0  }
0xb9: {  	s20 =	sadd.s32 s19, s23;
	[sflag:s29] =	ssyncadd.s32 $0xFFFFD800  }
0xba: {  	[tilespmem:s10], [sflag:$0x9] =	stream.linear.gather [hbm4b:s20+s4], $0x50, $0x38;
	[tilespmem:$0x1E000] =	vst v63  }
0xbb: {  	s20 =	sadd.s32 $0xFFFFFF60, s18  }
0xbc: {  	[tilespmem:s11], [sflag:$0x3] =	stream.indirect.gather [hbm4b:s2+s0], $0x80, s20, s0, $0xb8;
	[tilespmem:$0x1E000] =	vst v63  }
0xbd: {  	_ =	swait.ge [sflag:s12], $0x50  }
0xbe: {  	[sflag:s12] =	ssyncset.done $0x0  }
0xbf: {  	[sflag:s12] =	ssyncadd.s32 $0xFFFFFFB0  }
0xc0: {  	_ =	swait.ge [sflag:s13], $0x2800  }
0xc1: {  	[sflag:s13] =	ssyncset.done $0x0  }
0xc2: {  	[sflag:s13] =	ssyncadd.s32 $0xFFFFD800  }
0xc3: {  	[spmem:s3] =	stream.indirect.scatter.add.f32 [tilespmem:s7], [sflag:$0x5], $0x80, s1, s0, $0xb8;
	[tilespmem:$0x1E000] =	vst v63  }
0xc4: {  	_ =	swait.ge [sflag:s26], $0x2800  }
0xc5: {  	[sflag:s26] =	ssyncset.done $0x0  }
0xc6: {  	s20 =	sadd.s32 s19, s22;
	[sflag:s26] =	ssyncadd.s32 $0xFFFFD800  }
0xc7: {  	[tilespmem:s31], [sflag:$0x7] =	stream.linear.gather [hbm4b:s20+s4], $0x50, $0x38;
	[tilespmem:$0x1E000] =	vst v63  }
0xc8: {  	s20 =	sadd.s32 $0xFFFFFFB0, s18  }
0xc9: {  	[tilespmem:s25], [sflag:$0x1] =	stream.indirect.gather [hbm4b:s2+s0], $0x80, s20, s0, $0xb8;
	[tilespmem:$0x1E000] =	vst v63  }
0xca: {  	_ =	swait.ge [sflag:s30], $0x50  }
0xcb: {  	[sflag:s30] =	ssyncset.done $0x0  }
0xcc: {  	[sflag:s30] =	ssyncadd.s32 $0xFFFFFFB0  }
0xcd: {  	_ =	swait.ge [sflag:s14], $0x2800  }
0xce: {  	[sflag:s14] =	ssyncset.done $0x0  }
0xcf: {  	[sflag:s14] =	ssyncadd.s32 $0xFFFFD800  }
0xd0: {  	[spmem:s3] =	stream.indirect.scatter.add.f32 [tilespmem:s11], [sflag:$0x6], $0x80, s10, s0, $0xb8;
	[tilespmem:$0x1E000] =	vst v63  }
.Ltmp1:
0xd1: {  	_ =	swait.ge [sflag:s28], $0x2800;
	(pc) =	sbr.rel @p0 .LBB2_4-.Ltmp1, $4  }
0xd2: {  	[sflag:s28] =	ssyncset.done $0x0  }
0xd3: {  	s19 =	sadd.s32 s19, s21;
	[sflag:s28] =	ssyncadd.s32 $0xFFFFD800  }
0xd4: {  	[tilespmem:s1], [sflag:$0x8] =	stream.linear.gather [hbm4b:s19+s4], $0x50, $0x38;
	[tilespmem:$0x1E000] =	vst v63  }
0xd5: {  	s18 =	sadd.s32 $0xF0, s18  }
0xd6: {  	[tilespmem:s7], [sflag:$0x2] =	stream.indirect.gather [hbm4b:s2+s0], $0x80, s16, s0, $0xb8;
	[tilespmem:$0x1E000] =	vst v63  }
0xd7: {  	_ =	swait.ge [sflag:s8], $0x50  }
0xd8: {  	[sflag:s8] =	ssyncset.done $0x0  }
0xd9: {  	[sflag:s8] =	ssyncadd.s32 $0xFFFFFFB0  }
0xda: {  	_ =	swait.ge [sflag:s9], $0x2800  }
0xdb: {  	[sflag:s9] =	ssyncset.done $0x0  }
0xdc: {  	[sflag:s9] =	ssyncadd.s32 $0xFFFFD800  }
0xdd: {  	[spmem:s3] =	stream.indirect.scatter.add.f32 [tilespmem:s25], [sflag:$0x4], $0x80, s31, s0, $0xb8;
	[tilespmem:$0x1E000] =	vst v63  }
0xde: {  	_ =	swait.ge [sflag:s12], $0x50  }
0xdf: {  	[sflag:s12] =	ssyncset.done $0x0  }
0xe0: {  	[sflag:s12] =	ssyncadd.s32 $0xFFFFFFB0  }
0xe1: {  	_ =	swait.ge [sflag:s13], $0x2800  }
0xe2: {  	[sflag:s13] =	ssyncset.done $0x0  }
0xe3: {  	[sflag:s13] =	ssyncadd.s32 $0xFFFFD800  }
0xe4: {  	[spmem:s3] =	stream.indirect.scatter.add.f32 [tilespmem:s7], [sflag:$0x5], $0x80, s1, s0, $0xb8;
	[tilespmem:$0x1E000] =	vst v63  }
0xe5: {  	_ =	swait.ge [sflag:s29], $0x2800  }
0xe6: {  	[sflag:s29] =	ssyncset.done $0x0  }
0xe7: {  	[sflag:s29] =	ssyncadd.s32 $0xFFFFD800  }
0xe8: {  	_ =	swait.ge [sflag:s26], $0x2800  }
0xe9: {  	[sflag:s26] =	ssyncset.done $0x0  }
0xea: {  	[sflag:s26] =	ssyncadd.s32 $0xFFFFD800  }
0xeb: {  	_ =	swait.ge [sflag:s28], $0x2800  }
0xec: {  	[sflag:s28] =	ssyncset.done $0x0  }
0xed: {  	s19 =	stileid.u32;
	[sflag:s28] =	ssyncadd.s32 $0xFFFFD800  }
0xee: {  	s16 =	sshll.u32 s19, $0x6;
	[bflag:$0x0] =	sbarrier.arrive $0xFFFF  }
0xef: {  	s17 =	sshrl.u32 s6, $0x3;
	s16 =	sor.u32 $0x1C04, s16;
	s18 =	rddreg [dreg:$0xd]  }
0xf0: {  	[hbm:s18], [sflag:s16] =	dma.local [spmem:s17], $0x2800  }
0xf1: {  	_ =	swait.ge [sflag:s26], $0x2800  }
0xf2: {  	s15 =	sadd.s32 $0x1, s15;
	s20 =	rddreg [dreg:$0xe]  }
0xf3: {  	p0 =	sne.s32 s15, s20  }
.Ltmp2:
0xf4: {  	_ = 	snop;
	(pc) =	sbr.rel @p0 .LBB2_1-.Ltmp2, $3  }
0xf5: {  	_ =	sdelay $0x1  }
0xf6: {  	[sflag:s26] =	ssyncset.done $0x0  }
0xf7: {  	[sflag:s26] =	ssyncadd.s32 $0xFFFFD800  }
0xf8: {  	_ =	sfence.sel $0x180000  }
0xf9: {  	[bflag:$0x0] =	sbarrier.arrive $0xFFFF  }
0xfa: {  	_ =	strace $0x9000004A  }
0xfb: {  	s0 =	stileid.u32;
	[bflag:$0x2] =	sbarrier.arrive $0xFFFF  }
0xfc: {  	p0 =	sne.s32 s0, $0x0;
	s0 =	rddreg [dreg:$0x3]  }
0xfd: {  	s0 =	sadd.s32 @!p0 $0x100000, s0  }
0xfe: {  	[sflag:s0] =	ssyncadd.tile.s32 @!p0 $0x1;
	_ =	shalt  }
.Lfunc_end2:
_tile_overlayer_lowered:
.L_overlay_start_2:
0xff: {  	(tag) =	ssettag $0x2  }
0x100: {  	s0 =	rddreg [dreg:$0x0];
	s2 =	stileid.u32  }
0x101: {  	s1 =	rddreg [dreg:$0x1];
	p0 =	sne.s32 s2, $0x0  }
0x102: {  	s3 =	rddreg [dreg:$0x2];
	[bflag:$0x3] =	sbarrier.arrive $0xFFFF;
	s2 =	simm.s32 @!p0 $0x1C0A  }
0x103: {  	[timem:s3], [sflag:s2] =	dma.local @!p0 [hbm:s0], s1  }
0x104: {  	s0 =	simm.s32 @!p0 $0xA  }
0x105: {  	_ =	swait.ge @!p0 [sflag:s0], s1  }
0x106: {  	s1 =	ssub.s32 @!p0 $0x0, s1;
	[sflag:s0] =	ssyncset.done @!p0 $0x0  }
0x107: {  	[sflag:s0] =	ssyncadd.s32 @!p0 s1  }
0x108: {  	[bflag:$0x3] =	sbarrier.arrive $0xFFFF  }
0x109: {  	_ =	shalt  }

// kernel: kernel.8.cloned.1.call-start
scs
__scs_entry_jumppad:
0x0: {  	(pc) =	sbr.rel $0x88, $3  }
0x1: {  	(tag) =	ssettag $0x0;
	lr =	simm.s32 $0x1  }
0x2: {  	[smem:$0x3F95] =	sst lr;
	_ =	strace $0xD0000000  }
0x3: {  	_ = 	snop  }
0x4: {  	_ = 	snop  }
0x5: {  	_ = 	snop  }
0x6: {  	_ = 	snop  }
0x7: {  	_ = 	snop  }
__scs_overlays_trampoline_lowered:
0x8: {  	[smem:$0x3FA4] =	sst s0  }
0x9: {  	[smem:$0x3FA5] =	sst s1  }
0xa: {  	[smem:$0x3FA6] =	sst s2  }
0xb: {  	[smem:$0x3FA7] =	sst s3  }
0xc: {  	[smem:$0x3FA8] =	sst s4  }
0xd: {  	[smem:$0x3FA9] =	sst s5  }
0xe: {  	[smem:$0x3FAA] =	sst s6  }
0xf: {  	[smem:$0x3FAB] =	sst s7  }
0x10: {  	[smem:$0x3FAC] =	sst s8  }
0x11: {  	[smem:$0x3FAD] =	sst s9;
	s0 =	simm.s32 @!p0 $0x0  }
0x12: {  	s1 =	sld [smem:$0x3F93];
	s0 =	simm.s32 @p0 $0x1  }
0x13: {  	[smem:$0x3FAE] =	sst s0;
	s0 =	simm.s32 @!p1 $0x0  }
0x14: {  	s2 =	sld [smem:$0x3F92];
	s0 =	simm.s32 @p1 $0x1  }
0x15: {  	[smem:$0x3FAF] =	sst s0;
	s0 =	simm.s32 @!p2 $0x0  }
0x16: {  	s3 =	sld [smem:$0x3FDB];
	s0 =	simm.s32 @p2 $0x1  }
0x17: {  	s4 =	simm.s32 $0x1BF5;
	[smem:$0x3FB1] =	sst s0  }
0x18: {  	s0 =	sld [smem:$0x3F94];
	_ =	swait.ge [sflag:s4], $0x0  }
0x19: {  	s7 =	sld [smem:$0x3F95]  }
0x1a: {  	s8 =	sadd.s32 $0xFFFFE003, lr  }
0x1b: {  	s9 =	sadd.s32 $0xFFFFFEF7, lr;
	s5 =	simm.s32 $0xFFFFFFFF;
	p2 =	slt.u32 s8, $0xFFFFF086  }
0x1c: {  	p1 =	slt.u32 s9, $0xF7A;
	s5 =	simm.s32 @!p2 $0x0  }
0x1d: {  	s5 =	simm.s32 @p1 $0x1;
	p0 =	seq.s32 s7, s2  }
0x1e: {  	s7 =	smul.u32 @!p0 $0xF7A, s2;
	p2 =	seq.s32 @!p0 s5, $0x0  }
0x1f: {  	s9 =	smul.u32 $0xF7A, s1;
	s8 =	simm.s32 @!p0 $0x1BF5;
	p2 =	por !p2, p0  }
0x20: {  	[sflag:s8] =	ssyncset.s32 @!p0 $0xFFFFF086;
	s6 =	sadd.s32 @!p0 s3, s7;
	s7 =	simm.s32 @!p0 $0x108  }
0x21: {  	s3 =	sadd.s32 s3, s9;
	s6 =	sadd.s32 @!p0 $0x88, s6;
	s7 =	simm.s32 @p2 $0x1082  }
0x22: {  	[simem:s7], [sflag:s8] =	dma.local @!p0 [hbm:s6], $0xF7A  }
0x23: {  	s9 =	sor.u32 $0xD0000000, s2;
	s6 =	simm.s32 $0x108;
	_ =	swait.ge @!p0 [sflag:s8], $0x0  }
0x24: {  	s3 =	sadd.s32 $0x88, s3;
	s6 =	simm.s32 @!p1 $0x1082;
	[sflag:s4] =	ssyncset.s32 $0xFFFFF086  }
0x25: {  	[simem:s6], [sflag:s4] =	dma.local [hbm:s3], $0xF7A  }
0x26: {  	[smem:$0x3F95] =	sst s1;
	(tag) =	ssettag s2;
	_ =	strace s9  }
0x27: {  	s1 =	sld [smem:$0x3FA5]  }
0x28: {  	s2 =	sld [smem:$0x3FA6]  }
0x29: {  	s4 =	sld [smem:$0x3FA8]  }
0x2a: {  	p0 =	seq.s32 s5, $0x0;
	s5 =	sld [smem:$0x3FA9]  }
0x2b: {  	s6 =	sld [smem:$0x3FAA]  }
0x2c: {  	s7 =	sld [smem:$0x3FAB]  }
0x2d: {  	s3 =	simm.s32 $0x108;
	s8 =	sld [smem:$0x3FAC]  }
0x2e: {  	s3 =	simm.s32 @!p0 $0x1082;
	s9 =	sld [smem:$0x3FAD]  }
0x2f: {  	lr =	sadd.s32 s0, s3;
	s0 =	sld [smem:$0x3FA4]  }
0x30: {  	s3 =	sld [smem:$0x3FA7]  }
0x31: {  	[smem:$0x3FB0] =	sst s10  }
0x32: {  	s10 =	sld [smem:$0x3FAE];
	_ =	sdelay $0x3  }
0x33: {  	p0 =	seq.s32 s10, $0x1;
	s10 =	sld [smem:$0x3FB0];
	_ =	sdelay $0x3  }
0x34: {  	[smem:$0x3FB0] =	sst s10  }
0x35: {  	s10 =	sld [smem:$0x3FAF];
	_ =	sdelay $0x3  }
0x36: {  	p1 =	seq.s32 s10, $0x1;
	s10 =	sld [smem:$0x3FB0];
	_ =	sdelay $0x3  }
0x37: {  	[smem:$0x3FB0] =	sst s10  }
0x38: {  	s10 =	sld [smem:$0x3FB1]  }
0x39: {  	_ = 	snop;
	(pc) =	sbr.ind lr, $3  }
0x3a: {  	_ = 	snop  }
0x3b: {  	_ = 	snop  }
0x3c: {  	p2 =	seq.s32 s10, $0x1;
	s10 =	sld [smem:$0x3FB0]  }
0x3d: {  	_ =	shalt  }
0x3e: {  	_ =	shalt  }
0x3f: {  	_ =	shalt  }
0x40: {  	_ =	shalt  }
0x41: {  	_ =	shalt  }
0x42: {  	_ =	shalt  }
0x43: {  	_ =	shalt  }
0x44: {  	_ =	shalt  }
0x45: {  	_ =	shalt  }
0x46: {  	_ =	shalt  }
0x47: {  	_ =	shalt  }
0x48: {  	_ =	shalt  }
0x49: {  	_ =	shalt  }
0x4a: {  	_ =	shalt  }
0x4b: {  	_ =	shalt  }
0x4c: {  	_ =	shalt  }
0x4d: {  	_ =	shalt  }
0x4e: {  	_ =	shalt  }
0x4f: {  	_ =	shalt  }
0x50: {  	_ =	shalt  }
0x51: {  	_ =	shalt  }
0x52: {  	_ =	shalt  }
0x53: {  	_ =	shalt  }
0x54: {  	_ =	shalt  }
0x55: {  	_ =	shalt  }
0x56: {  	_ =	shalt  }
0x57: {  	_ =	shalt  }
0x58: {  	_ =	shalt  }
0x59: {  	_ =	shalt  }
0x5a: {  	_ =	shalt  }
0x5b: {  	_ =	shalt  }
0x5c: {  	_ =	shalt  }
0x5d: {  	_ =	shalt  }
0x5e: {  	_ =	shalt  }
0x5f: {  	_ =	shalt  }
0x60: {  	_ =	shalt  }
0x61: {  	_ =	shalt  }
0x62: {  	_ =	shalt  }
0x63: {  	_ =	shalt  }
0x64: {  	_ =	shalt  }
0x65: {  	_ =	shalt  }
0x66: {  	_ =	shalt  }
0x67: {  	_ =	shalt  }
0x68: {  	_ =	shalt  }
0x69: {  	_ =	shalt  }
0x6a: {  	_ =	shalt  }
0x6b: {  	_ =	shalt  }
0x6c: {  	_ =	shalt  }
0x6d: {  	_ =	shalt  }
0x6e: {  	_ =	shalt  }
0x6f: {  	_ =	shalt  }
0x70: {  	_ =	shalt  }
0x71: {  	_ =	shalt  }
0x72: {  	_ =	shalt  }
0x73: {  	_ =	shalt  }
0x74: {  	_ =	shalt  }
0x75: {  	_ =	shalt  }
0x76: {  	_ =	shalt  }
0x77: {  	_ =	shalt  }
0x78: {  	_ =	shalt  }
0x79: {  	_ =	shalt  }
0x7a: {  	_ =	shalt  }
0x7b: {  	_ =	shalt  }
0x7c: {  	_ =	shalt  }
0x7d: {  	_ =	shalt  }
0x7e: {  	_ =	shalt  }
0x7f: {  	_ =	shalt  }
0x80: {  	_ =	shalt  }
0x81: {  	_ =	shalt  }
0x82: {  	_ =	shalt  }
0x83: {  	_ =	shalt  }
0x84: {  	_ =	shalt  }
0x85: {  	_ =	shalt  }
0x86: {  	_ =	shalt  }
0x87: {  	_ =	shalt  }
.Lfunc_end0:
.L_simem_size_0:
called_computation_lowered:
.L_overlay_start_0:
0x88: {  	s2 =	sld [smem:$0x3FD9]  }
0x89: {  	s3 =	sld [smem:$0x3FFE];
	_ =	sdelay $0x1  }
0x8a: {  	s1 =	srdreg.scid  }
0x8b: {  	s0 =	sand.u32 $0x1, s1  }
0x8c: {  	s17 =	sshll.u32 s0, $0xA;
	s2 =	sadd.s32 s3, s2  }
0x8d: {  	s2 =	sadd.s32 s2, s17  }
0x8e: {  	[smem:$0x3FBC] =	sst s2  }
0x8f: {  	_ = 	snop  }
0x90: {  	s2 =	sld [smem:$0x3FC9]  }
0x91: {  	s18 =	sld [smem:$0x3FD0];
	(tm) =	ssettm $0x1  }
0x92: {  	s4 =	sld [smem:$0x3FFB];
	_ =	sdelay $0x3  }
0x93: {  	_ =	strace s4  }
0x94: {  	s4 =	sld [smem:$0x3FFC];
	_ =	sdelay $0x3  }
0x95: {  	_ =	strace s4  }
0x96: {  	s4 =	sld [smem:$0x3FFD];
	_ =	sdelay $0x3  }
0x97: {  	_ =	strace s4  }
0x98: {  	_ =	strace $0x8FFFFFFF  }
0x99: {  	s19 =	sld [smem:$0x3FDB];
	_ =	sdelay $0x1  }
0x9a: {  	s5 =	simm.s32 $_scs_section_size  }
0x9b: {  	s6 =	simm.s32 $_size__tile_overlayer_lowered;
	s7 =	simm.s32 $_tile_overlayer_lowered  }
0x9c: {  	s22 =	simm.s32 $0x1BFF;
	s21 =	sshll.u32 s7, $0x1;
	s4 =	sadd.s32 s5, s19  }
0x9d: {  	s8 =	simm.s32 $0x0;
	s20 =	sshll.u32 s6, $0x1;
	s6 =	sadd.s32 s21, s4  }
0x9e: {  	[timem:s8], [sflag:s22] =	dma.local [hbm:s6], s20  }
0x9f: {  	_ =	swait.ge [sflag:s22], s20  }
0xa0: {  	s5 =	ssub.s32 $0x0, s20;
	[sflag:s22] =	ssyncset.done $0x0  }
0xa1: {  	[sflag:s22] =	ssyncadd.s32 s5;
	_ =	sdelay $0x1  }
0xa2: {  	s23 =	simm.s32 $0x1B8B  }
0xa3: {  	_ =	swait.ge [sflag:s23], $0x1  }
0xa4: {  	[sflag:s23] =	ssyncset.done $0x0  }
0xa5: {  	s25 =	simm.s32 $0x1B8E;
	s24 =	sld [smem:$0x3FFE];
	[sflag:s23] =	ssyncadd.s32 $0xFFFFFFFF  }
0xa6: {  	s26 =	simm.s32 $execute0_lowered;
	[smem:$0x3FD2] =	sst s25  }
0xa7: {  	s6 =	sshll.u32 s26, $0x1;
	_ =	strace $0x80000046;
	[dreg:$0x1] =	wrdreg $0xFFFFFFFF  }
0xa8: {  	s28 =	simm.s32 $_size_execute0_lowered;
	s4 =	sadd.s32 s4, s6;
	[dreg:$0x0] =	wrdreg $0x0  }
0xa9: {  	s6 =	sshll.u32 s28, $0x1;
	[dreg:$0x2] =	wrdreg s4  }
0xaa: {  	[dreg:$0x3] =	wrdreg s6  }
0xab: {  	[dreg:$0x4] =	wrdreg $0xC0  }
0xac: {  	_ =	task [dreg:s8], $0x5FFFF  }
0xad: {  	[dreg:$0x1] =	wrdreg $0xFFFFFFFF  }
0xae: {  	[dreg:$0x0] =	wrdreg $0x60  }
0xaf: {  	[dreg:$0x2] =	wrdreg s2  }
0xb0: {  	[dreg:$0x3] =	wrdreg s24  }
0xb1: {  	[dreg:$0x4] =	wrdreg s18  }
0xb2: {  	[dreg:$0x5] =	wrdreg $0x0  }
0xb3: {  	[dreg:$0x6] =	wrdreg $0x1E0000  }
0xb4: {  	[dreg:$0x7] =	wrdreg $0x9  }
0xb5: {  	_ =	task.clear_ibuf [dreg:s8], $0x8FFFF;
	_ =	strace $0x90000046  }
0xb6: {  	s29 =	simm.s32 $0x9;
	_ =	strace $0x80000048  }
0xb7: {  	_ =	swait.ge [sflag:s29], $0x1  }
0xb8: {  	[sflag:s29] =	ssyncadd.s32 $0xFFFFFFFF  }
0xb9: {  	_ =	strace $0x90000048  }
0xba: {  	_ =	sfence  }
0xbb: {  	s30 =	sld [smem:$0x0];
	_ =	sdelay $0x2  }
0xbc: {  	s31 =	sshll.u32 s1, $0xD;
	s1 =	sshrl.u32 s1, $0x2  }
0xbd: {  	s3 =	sand.u32 $0x4000, s31;
	s1 =	sadd.s32 s1, s30  }
0xbe: {  	s0 =	sor.u32 s3, s0;
	s1 =	sshll.u32 s1, $0x11  }
0xbf: {  	s0 =	sor.u32 s1, s0  }
0xc0: {  	s0 =	sadd.s32 $0x8F2B, s0  }
0xc1: {  	[sflag:s0] =	ssyncadd.remote.s32 $0x1  }
0xc2: {  	_ =	sfence.sel $0xFFFF  }
0xc3: {  	[dreg:$0x0] =	wrdreg $0xFFFFFFFF;
	(pc) =	sbr.abs _section_cstart, $3  }
0xc4: {  	[dreg:$0x1] =	wrdreg $0xFFFFFFFF  }
0xc5: {  	_ =	task.clear_ibuf [dreg:s8], $0x2FFFF;
	_ =	strace $0x9FFFFFFF  }
0xc6: {  	(tm) =	ssettm $0x7FFFFFFF  }
0xc7: {  	_ =	shalt  }
tec
execute0_lowered:
.L_overlay_start_1:
0x0: {  	(tag) =	ssettag $0x1  }
0x1: {  	s1 =	rddreg [dreg:$0x0]  }
0x2: {  	s0 =	rddreg [dreg:$0x1]  }
0x3: {  	s2 =	rddreg [dreg:$0x2]  }
0x4: {  	s3 =	rddreg [dreg:$0x3]  }
0x5: {  	s4 =	rddreg [dreg:$0x4];
	s6 =	srdreg.scid  }
0x6: {  	s14 =	stileid.u32;
	s5 =	simm.s32 $0x0;
	s28 =	simm.s32 $0x6  }
0x7: {  	s29 =	simm.s32 $0x9;
	s30 =	simm.s32 $0x1DF10;
	s7 =	smul.u32 $0x14000, s14  }
0x8: {  	s31 =	simm.s32 $0x50;
	s6 =	sand.u32 $0x1, s6;
	s12 =	smul.u32 $0x50000, s14  }
0x9: {  	[smem:$0x7FF] =	sst s5;
	s9 =	sadd.s32 $0x3000, s0;
	s8 =	smul.u32 $0x140000, s6  }
0xa: {  	s10 =	sshll.u32 s14, $0x1;
	_ =	strace $0x80000047;
	s15 =	smul.u32 $0x2710, s6  }
0xb: {  	s11 =	ssub.s32 $0x2, s6;
	s10 =	sor.u32 s6, s10;
	s6 =	smul.u32 $0x2800, s6  }
0xc: {  	s13 =	sshrl.u32 s11, $0x1;
	s10 =	smul.u32 $0x2710, s10;
	s8 =	sadd.s32 s7, s8  }
0xd: {  	s22 =	sshrl.u32 s12, $0x2;
	s20 =	sadd.s32 s7, s3;
	s8 =	sshrl.u32 s8, $0x3  }
0xe: {  	[dreg:$0x11] =	wrdreg s20;
	s10 =	sshrl.u32 s10, $0x3;
	s0 =	sadd.s32 s8, s0  }
0xf: {  	s8 =	ssub.s32 s11, s13;
	s11 =	sadd.s32 s22, s3;
	s16 =	sadd.s32 s9, s10  }
0x10: {  	s12 =	smul.u32 $0x280, s14;
	s23 =	sadd.s32 $0x2800, s11;
	[dreg:$0x9] =	wrdreg s16  }
0x11: {  	s26 =	smul.u32 $0x4E20, s14;
	s24 =	sadd.s32 $0x5000, s11;
	[dreg:$0xa] =	wrdreg s23  }
0x12: {  	s6 =	sadd.s32 s12, s6;
	s25 =	sadd.s32 $0x7800, s11;
	[dreg:$0xb] =	wrdreg s24  }
0x13: {  	s10 =	sadd.s32 s15, s26;
	s13 =	sadd.s32 $0xA000, s11;
	[dreg:$0xc] =	wrdreg s25  }
0x14: {  	s6 =	sshrl.u32 s6, $0x3;
	s14 =	sadd.s32 $0xC800, s11;
	[dreg:$0xd] =	wrdreg s13  }
0x15: {  	s17 =	sadd.s32 $0xF000, s11;
	s18 =	sadd.s32 $0x11800, s11;
	[dreg:$0xe] =	wrdreg s14  }
0x16: {  	s19 =	sadd.s32 $0x9C40, s16;
	s21 =	sadd.s32 $0x9C4A, s16;
	[dreg:$0xf] =	wrdreg s17  }
0x17: {  	s0 =	sadd.s32 $0x16A00, s0;
	s22 =	sadd.s32 $0x4E340, s10;
	[dreg:$0x10] =	wrdreg s18  }
0x18: {  	s2 =	sadd.s32 s2, s6;
	s26 =	smax.u32 s8, $0x1;
	[dreg:$0x12] =	wrdreg s19  }
0x19: {  	s8 =	simm.s32 $0x1;
	s16 =	simm.s32 $0xB;
	[dreg:$0x13] =	wrdreg s21  }
0x1a: {  	s17 =	sadd.s32 s12, s4;
	[dreg:$0x14] =	wrdreg s0;
	s0 =	sshrl.u32 s22, $0x3  }
0x1b: {  	s23 =	sadd.s32 $0x4E2F0, s10;
	s10 =	sadd.s32 $0x4E2A0, s10;
	[dreg:$0x15] =	wrdreg s2  }
0x1c: {  	[dreg:$0x16] =	wrdreg s26;
	s21 =	simm.s32 $0x14000;
	s22 =	simm.s32 $0x16710  }
0x1d: {  	s26 =	simm.s32 $0x5;
	s2 =	simm.s32 $0x7;
	s12 =	simm.s32 $0x8  }
0x1e: {  	s13 =	simm.s32 $0x2;
	s14 =	simm.s32 $0x3;
	s18 =	simm.s32 $0x0  }
0x1f: {  	s0 =	sadd.s32 s0, s9;
	s11 =	sshrl.u32 s23, $0x3;
	s10 =	sshrl.u32 s10, $0x3  }
0x20: {  	s23 =	simm.s32 $0x18F10;
	[dreg:$0x6] =	wrdreg s0;
	s24 =	sadd.s32 s11, s9  }
0x21: {  	s25 =	sadd.s32 s10, s9;
	s0 =	simm.s32 $0x1DF60;
	s9 =	simm.s32 $0x1E280  }
0x22: {  	s10 =	simm.s32 $0x1DFB0;
	s11 =	simm.s32 $0x1B710;
	[dreg:$0x7] =	wrdreg s24  }
0x23: {  	v0 =	vimm.f32 $0.0e+00;
	v1 =	vimm.f32 $1.000000000e+00;
	[dreg:$0x8] =	wrdreg s25;
	s24 =	simm.s32 $0xA;
	s25 =	simm.s32 $0x4  }
.LBB2_1:
0x24: {  	s6 =	rddreg [dreg:$0x9]  }
0x25: {  	[tilespmem:s21], [sflag:$0x9] =	stream.linear.gather [hbm4b:s6+s5], $0x2710, $0x38;
	[tilespmem:$0x1E550] =	vst v63  }
0x26: {  	s19 =	simm.s32 $0x200;
	s6 =	simm.s32 $0x0  }
.LBB2_2:
0x27: {  	p0 =	sne.s32 s19, $0x9E00;
	[tilespmem:s6+$0x16780] =	vst v0  }
0x28: {  	[tilespmem:s6+$0x16710] =	vst v0  }
0x29: {  	[tilespmem:s6+$0x16720] =	vst v0  }
.Ltmp0:
0x2a: {  	[tilespmem:s6+$0x16730] =	vst v0;
	(pc) =	sbr.rel @p0 .LBB2_2-.Ltmp0, $4  }
0x2b: {  	[tilespmem:s6+$0x16740] =	vst v0  }
0x2c: {  	[tilespmem:s6+$0x16750] =	vst v0  }
0x2d: {  	[tilespmem:s6+$0x16760] =	vst v0  }
0x2e: {  	[tilespmem:s6+$0x16770] =	vst v0;
	s6 =	sshra.s32 s19, $0x2;
	s19 =	sadd.s32 $0x200, s19  }
0x2f: {  	[tilespmem:s6+$0x16780] =	vst v0  }
0x30: {  	[tilespmem:s6+$0x16710] =	vst v0  }
0x31: {  	[tilespmem:s6+$0x16720] =	vst v0  }
0x32: {  	[tilespmem:s6+$0x16730] =	vst v0  }
0x33: {  	[tilespmem:s6+$0x16740] =	vst v0  }
0x34: {  	[tilespmem:s6+$0x16750] =	vst v0  }
0x35: {  	[tilespmem:s6+$0x16760] =	vst v0  }
0x36: {  	[tilespmem:s6+$0x16770] =	vst v0  }
0x37: {  	[spmem:s20] =	stream.linear.scatter [tilespmem:s22], [sflag:$0x4], $0x2800, $0x38;
	[tilespmem:$0x1E550] =	vst v63  }
0x38: {  	s15 =	rddreg [dreg:$0xa]  }
0x39: {  	[spmem:s15] =	stream.linear.scatter [tilespmem:s22], [sflag:$0x5], $0x2800, $0x38;
	[tilespmem:$0x1E550] =	vst v63  }
0x3a: {  	s19 =	rddreg [dreg:$0xb]  }
0x3b: {  	[spmem:s19] =	stream.linear.scatter [tilespmem:s22], [sflag:$0x6], $0x2800, $0x38;
	[tilespmem:$0x1E550] =	vst v63  }
0x3c: {  	s20 =	rddreg [dreg:$0xc]  }
0x3d: {  	[spmem:s20] =	stream.linear.scatter [tilespmem:s22], [sflag:$0x4], $0x2800, $0x38;
	[tilespmem:$0x1E550] =	vst v63  }
0x3e: {  	s7 =	rddreg [dreg:$0xd]  }
0x3f: {  	[spmem:s7] =	stream.linear.scatter [tilespmem:s22], [sflag:$0x5], $0x2800, $0x38;
	[tilespmem:$0x1E550] =	vst v63  }
0x40: {  	s15 =	rddreg [dreg:$0xe]  }
0x41: {  	[spmem:s15] =	stream.linear.scatter [tilespmem:s22], [sflag:$0x6], $0x2800, $0x38;
	[tilespmem:$0x1E550] =	vst v63  }
0x42: {  	s19 =	rddreg [dreg:$0xf]  }
0x43: {  	[spmem:s19] =	stream.linear.scatter [tilespmem:s22], [sflag:$0x4], $0x2800, $0x38;
	[tilespmem:$0x1E550] =	vst v63  }
0x44: {  	s20 =	rddreg [dreg:$0x10]  }
0x45: {  	[spmem:s20] =	stream.linear.scatter [tilespmem:s22], [sflag:$0x5], $0x2800, $0x38;
	[tilespmem:$0x1E550] =	vst v63  }
0x46: {  	[tilespmem:$0x1E2D0] =	vst v0  }
0x47: {  	[tilespmem:$0x1E2E0] =	vst v0  }
0x48: {  	[tilespmem:$0x1E2F0] =	vst v0  }
0x49: {  	[tilespmem:$0x1E300] =	vst v0  }
0x4a: {  	[tilespmem:$0x1E310] =	vst v0  }
0x4b: {  	[tilespmem:$0x1E320] =	vst v0  }
0x4c: {  	[tilespmem:$0x1E330] =	vst v0  }
0x4d: {  	[tilespmem:$0x1E340] =	vst v0  }
0x4e: {  	[tilespmem:$0x1E350] =	vst v0  }
0x4f: {  	[tilespmem:$0x1E360] =	vst v0  }
0x50: {  	[tilespmem:$0x1E370] =	vst v0  }
0x51: {  	[tilespmem:$0x1E380] =	vst v0  }
0x52: {  	[tilespmem:$0x1E390] =	vst v0  }
0x53: {  	[tilespmem:$0x1E3A0] =	vst v0  }
0x54: {  	[tilespmem:$0x1E3B0] =	vst v0  }
0x55: {  	[tilespmem:$0x1E3C0] =	vst v0  }
0x56: {  	[tilespmem:$0x1E3D0] =	vst v0  }
0x57: {  	[tilespmem:$0x1E3E0] =	vst v0  }
0x58: {  	[tilespmem:$0x1E3F0] =	vst v0  }
0x59: {  	[tilespmem:$0x1E400] =	vst v0  }
0x5a: {  	[tilespmem:$0x1E410] =	vst v0  }
0x5b: {  	[tilespmem:$0x1E420] =	vst v0  }
0x5c: {  	[tilespmem:$0x1E430] =	vst v0  }
0x5d: {  	[tilespmem:$0x1E440] =	vst v0  }
0x5e: {  	[tilespmem:$0x1E450] =	vst v0  }
0x5f: {  	[tilespmem:$0x1E460] =	vst v0  }
0x60: {  	[tilespmem:$0x1E470] =	vst v0  }
0x61: {  	[tilespmem:$0x1E480] =	vst v0  }
0x62: {  	[tilespmem:$0x1E490] =	vst v0  }
0x63: {  	[tilespmem:$0x1E4A0] =	vst v0  }
0x64: {  	[tilespmem:$0x1E4B0] =	vst v0  }
0x65: {  	[tilespmem:$0x1E4C0] =	vst v0  }
0x66: {  	[tilespmem:$0x1E4D0] =	vst v0  }
0x67: {  	[tilespmem:$0x1E4E0] =	vst v0  }
0x68: {  	[tilespmem:$0x1E4F0] =	vst v0  }
0x69: {  	[tilespmem:$0x1E500] =	vst v0  }
0x6a: {  	[tilespmem:$0x1E510] =	vst v0  }
0x6b: {  	[tilespmem:$0x1E520] =	vst v0  }
0x6c: {  	[tilespmem:$0x1E530] =	vst v0  }
0x6d: {  	s7 =	simm.s32 $0x1E2D0;
	[tilespmem:$0x1E540] =	vst v0  }
0x6e: {  	[spmem:s17] =	stream.linear.scatter [tilespmem:s7], [sflag:$0xA], $0x280, $0x38;
	[tilespmem:$0x1E550] =	vst v63  }
0x6f: {  	[tilespmem:$0x1E280] =	vst v1  }
0x70: {  	[tilespmem:$0x1E290] =	vst v1  }
0x71: {  	[tilespmem:$0x1E2A0] =	vst v1  }
0x72: {  	[tilespmem:$0x1E2B0] =	vst v1  }
0x73: {  	[tilespmem:$0x1E2C0] =	vst v1  }
0x74: {  	_ =	swait.ge [sflag:s24], $0x280  }
0x75: {  	[sflag:s24] =	ssyncset.done $0x0  }
0x76: {  	[sflag:s24] =	ssyncadd.s32 $0xFFFFFD80  }
0x77: {  	_ =	swait.ge [sflag:s25], $0x2800  }
0x78: {  	[sflag:s25] =	ssyncset.done $0x0  }
0x79: {  	[sflag:s25] =	ssyncadd.s32 $0xFFFFD800  }
0x7a: {  	_ =	swait.ge [sflag:s26], $0x2800  }
0x7b: {  	[sflag:s26] =	ssyncset.done $0x0  }
0x7c: {  	[sflag:s26] =	ssyncadd.s32 $0xFFFFD800  }
0x7d: {  	_ =	swait.ge [sflag:s28], $0x2800  }
0x7e: {  	[sflag:s28] =	ssyncset.done $0x0  }
0x7f: {  	[sflag:s28] =	ssyncadd.s32 $0xFFFFD800  }
0x80: {  	_ =	swait.ge [sflag:s25], $0x2800  }
0x81: {  	[sflag:s25] =	ssyncset.done $0x0  }
0x82: {  	[sflag:s25] =	ssyncadd.s32 $0xFFFFD800  }
0x83: {  	_ =	swait.ge [sflag:s26], $0x2800  }
0x84: {  	[sflag:s26] =	ssyncset.done $0x0  }
0x85: {  	[sflag:s26] =	ssyncadd.s32 $0xFFFFD800  }
0x86: {  	_ =	swait.ge [sflag:s28], $0x2800  }
0x87: {  	[sflag:s28] =	ssyncset.done $0x0  }
0x88: {  	[sflag:s28] =	ssyncadd.s32 $0xFFFFD800  }
0x89: {  	_ =	swait.ge [sflag:s25], $0x2800  }
0x8a: {  	[sflag:s25] =	ssyncset.done $0x0  }
0x8b: {  	[sflag:s25] =	ssyncadd.s32 $0xFFFFD800  }
0x8c: {  	_ =	swait.ge [sflag:s26], $0x2800  }
0x8d: {  	[sflag:s26] =	ssyncset.done $0x0  }
0x8e: {  	[sflag:s26] =	ssyncadd.s32 $0xFFFFD800  }
0x8f: {  	_ =	swait.ge [sflag:s29], $0x2710  }
0x90: {  	[sflag:s29] =	ssyncset.done $0x0  }
0x91: {  	[sflag:s29] =	ssyncadd.s32 $0xFFFFD8F0  }
0x92: {  	[bflag:$0x0] =	sbarrier.arrive $0xFFFF  }
0x93: {  	s19 =	simm.s32 $0x0;
	s7 =	rddreg [dreg:$0x12]  }
0x94: {  	[tilespmem:s30], [sflag:$0x7] =	stream.linear.gather [hbm4b:s7+s19], $0x50, $0x38;
	[tilespmem:$0x1E550] =	vst v63  }
0x95: {  	_ = 	snop  }
0x96: {  	[tilespmem:s22], [sflag:$0x1] =	stream.indirect.gather [hbm4b:s1+s31], $0x80, s21, s31, $0xb8;
	[tilespmem:$0x1E550] =	vst v63  }
0x97: {  	s20 =	rddreg [dreg:$0x13]  }
0x98: {  	[tilespmem:s0], [sflag:$0x8] =	stream.linear.gather [hbm4b:s20+s19], $0x50, $0x38;
	[tilespmem:$0x1E550] =	vst v63  }
0x99: {  	s21 =	simm.s32 $0x14050  }
0x9a: {  	[tilespmem:s23], [sflag:$0x2] =	stream.indirect.gather [hbm4b:s1+s31], $0x80, s21, s31, $0xb8;
	[tilespmem:$0x1E550] =	vst v63  }
0x9b: {  	_ =	swait.ge [sflag:s2], $0x50  }
0x9c: {  	[sflag:s2] =	ssyncset.done $0x0  }
0x9d: {  	[sflag:s2] =	ssyncadd.s32 $0xFFFFFFB0  }
0x9e: {  	_ =	swait.ge [sflag:s8], $0x2800  }
0x9f: {  	[sflag:s8] =	ssyncset.done $0x0  }
0xa0: {  	p0 =	por $0x1, $0x1;
	[sflag:s8] =	ssyncadd.s32 $0xFFFFD800  }
0xa1: {  	[spmem:s3] =	stream.indirect.scatter.add.f32 [tilespmem:s22], [sflag:$0x4], $0x80, s30, s31, $0xb8;
	[tilespmem:$0x1E550] =	vst v63  }
0xa2: {  	s6 =	simm.s32 @!p0 $0x6  }
0xa3: {  	[spmem:s4] =	stream.indirect.scatter.add.f32 [tilespmem:s9], [sflag:$0xA], $0x1, s30, s31, $0xb8;
	[tilespmem:$0x1E550] =	vst v63  }
0xa4: {  	_ =	swait.ge @!p0 [sflag:s6], $0x2800  }
0xa5: {  	[sflag:s6] =	ssyncset.done @!p0 $0x0  }
0xa6: {  	s19 =	simm.s32 @!p0 $0xC;
	[sflag:s6] =	ssyncadd.s32 @!p0 $0xFFFFD800  }
0xa7: {  	_ =	swait.ge @!p0 [sflag:s19], $0x50  }
0xa8: {  	s7 =	rddreg [dreg:$0x8];
	[sflag:s19] =	ssyncset.done @!p0 $0x0  }
0xa9: {  	[sflag:s19] =	ssyncadd.s32 @!p0 $0xFFFFFFB0;
	s6 =	sadd.s32 $0x0, s7  }
0xaa: {  	[tilespmem:s10], [sflag:$0x9] =	stream.linear.gather [hbm4b:s6+s5], $0x50, $0x38;
	[tilespmem:$0x1E550] =	vst v63  }
0xab: {  	s15 =	smov.u32 s17;
	s17 =	simm.s32 $0x140A0  }
0xac: {  	[tilespmem:s11], [sflag:$0x3] =	stream.indirect.gather [hbm4b:s1+s31], $0x80, s17, s31, $0xb8;
	[tilespmem:$0x1E550] =	vst v63  }
0xad: {  	_ =	swait.ge [sflag:s12], $0x50  }
0xae: {  	[sflag:s12] =	ssyncset.done $0x0  }
0xaf: {  	[sflag:s12] =	ssyncadd.s32 $0xFFFFFFB0  }
0xb0: {  	_ =	swait.ge [sflag:s13], $0x2800  }
0xb1: {  	[sflag:s13] =	ssyncset.done $0x0  }
0xb2: {  	[sflag:s13] =	ssyncadd.s32 $0xFFFFD800  }
0xb3: {  	[spmem:s3] =	stream.indirect.scatter.add.f32 [tilespmem:s23], [sflag:$0x5], $0x80, s0, s31, $0xb8;
	[tilespmem:$0x1E550] =	vst v63  }
0xb4: {  	_ = 	snop  }
0xb5: {  	[spmem:s4] =	stream.indirect.scatter.add.f32 [tilespmem:s9], [sflag:$0xB], $0x1, s0, s31, $0xb8;
	[tilespmem:$0x1E550] =	vst v63  }
0xb6: {  	_ =	swait.ge [sflag:s25], $0x2800  }
0xb7: {  	[sflag:s25] =	ssyncset.done $0x0  }
0xb8: {  	[sflag:s25] =	ssyncadd.s32 $0xFFFFD800  }
0xb9: {  	_ =	swait.ge [sflag:s24], $0x50  }
0xba: {  	s19 =	rddreg [dreg:$0x7];
	[sflag:s24] =	ssyncset.done $0x0  }
0xbb: {  	[sflag:s24] =	ssyncadd.s32 $0xFFFFFFB0;
	s6 =	sadd.s32 $0x0, s19  }
0xbc: {  	[tilespmem:s30], [sflag:$0x7] =	stream.linear.gather [hbm4b:s6+s5], $0x50, $0x38;
	[tilespmem:$0x1E550] =	vst v63  }
0xbd: {  	s20 =	simm.s32 $0x140F0  }
0xbe: {  	[tilespmem:s22], [sflag:$0x1] =	stream.indirect.gather [hbm4b:s1+s31], $0x80, s20, s31, $0xb8;
	[tilespmem:$0x1E550] =	vst v63  }
0xbf: {  	_ =	swait.ge [sflag:s29], $0x50  }
0xc0: {  	[sflag:s29] =	ssyncset.done $0x0  }
0xc1: {  	[sflag:s29] =	ssyncadd.s32 $0xFFFFFFB0  }
0xc2: {  	_ =	swait.ge [sflag:s14], $0x2800  }
0xc3: {  	[sflag:s14] =	ssyncset.done $0x0  }
0xc4: {  	[sflag:s14] =	ssyncadd.s32 $0xFFFFD800  }
0xc5: {  	[spmem:s3] =	stream.indirect.scatter.add.f32 [tilespmem:s11], [sflag:$0x6], $0x80, s10, s31, $0xb8;
	[tilespmem:$0x1E550] =	vst v63  }
0xc6: {  	_ = 	snop  }
0xc7: {  	[spmem:s4] =	stream.indirect.scatter.add.f32 [tilespmem:s9], [sflag:$0xC], $0x1, s10, s31, $0xb8;
	[tilespmem:$0x1E550] =	vst v63  }
0xc8: {  	_ =	swait.ge [sflag:s26], $0x2800  }
0xc9: {  	[sflag:s26] =	ssyncset.done $0x0  }
0xca: {  	[sflag:s26] =	ssyncadd.s32 $0xFFFFD800  }
0xcb: {  	_ =	swait.ge [sflag:s16], $0x50  }
0xcc: {  	s21 =	rddreg [dreg:$0x6];
	[sflag:s16] =	ssyncset.done $0x0  }
0xcd: {  	[sflag:s16] =	ssyncadd.s32 $0xFFFFFFB0;
	s6 =	sadd.s32 $0x0, s21  }
0xce: {  	[tilespmem:s0], [sflag:$0x8] =	stream.linear.gather [hbm4b:s6+s5], $0x50, $0x38;
	[tilespmem:$0x1E550] =	vst v63  }
0xcf: {  	s19 =	simm.s32 $0x14140;
	s21 =	simm.s32 $0x1E;
	s6 =	simm.s32 $0x14140  }
.LBB2_4:
0xd0: {  	[tilespmem:s23], [sflag:$0x2] =	stream.indirect.gather [hbm4b:s1+s31], $0x80, s19, s31, $0xb8;
	[tilespmem:$0x1E550] =	vst v63  }
0xd1: {  	_ =	swait.ge [sflag:s2], $0x50  }
0xd2: {  	[sflag:s2] =	ssyncset.done $0x0  }
0xd3: {  	[sflag:s2] =	ssyncadd.s32 $0xFFFFFFB0  }
0xd4: {  	_ =	swait.ge [sflag:s8], $0x2800  }
0xd5: {  	s20 =	smov.u32 s21;
	[sflag:s8] =	ssyncset.done $0x0  }
0xd6: {  	p1 =	seq.s32 s20, $0x0;
	[sflag:s8] =	ssyncadd.s32 $0xFFFFD800  }
0xd7: {  	[spmem:s3] =	stream.indirect.scatter.add.f32 [tilespmem:s22], [sflag:$0x4], $0x80, s30, s31, $0xb8;
	[tilespmem:$0x1E550] =	vst v63  }
0xd8: {  	s17 =	simm.s32 @!p1 $0x6  }
0xd9: {  	[spmem:s4] =	stream.indirect.scatter.add.f32 [tilespmem:s9], [sflag:$0xA], $0x1, s30, s31, $0xb8;
	[tilespmem:$0x1E550] =	vst v63  }
0xda: {  	_ =	swait.ge @!p1 [sflag:s17], $0x2800  }
0xdb: {  	[sflag:s17] =	ssyncset.done @!p1 $0x0  }
0xdc: {  	s7 =	simm.s32 @!p1 $0xC;
	[sflag:s17] =	ssyncadd.s32 @!p1 $0xFFFFD800  }
0xdd: {  	_ =	swait.ge @!p1 [sflag:s7], $0x50  }
0xde: {  	s17 =	rddreg [dreg:$0x8];
	[sflag:s7] =	ssyncset.done @!p1 $0x0  }
0xdf: {  	s6 =	sadd.s32 $0xF0, s6;
	[sflag:s7] =	ssyncadd.s32 @!p1 $0xFFFFFFB0;
	s7 =	sadd.s32 s20, s17  }
0xe0: {  	[tilespmem:s10], [sflag:$0x9] =	stream.linear.gather [hbm4b:s7+s5], $0x50, $0x38;
	[tilespmem:$0x1E550] =	vst v63  }
0xe1: {  	s17 =	sadd.s32 $0xFFFFFF60, s6  }
0xe2: {  	[tilespmem:s11], [sflag:$0x3] =	stream.indirect.gather [hbm4b:s1+s31], $0x80, s17, s31, $0xb8;
	[tilespmem:$0x1E550] =	vst v63  }
0xe3: {  	_ =	swait.ge [sflag:s12], $0x50  }
0xe4: {  	[sflag:s12] =	ssyncset.done $0x0  }
0xe5: {  	[sflag:s12] =	ssyncadd.s32 $0xFFFFFFB0  }
0xe6: {  	_ =	swait.ge [sflag:s13], $0x2800  }
0xe7: {  	[sflag:s13] =	ssyncset.done $0x0  }
0xe8: {  	[sflag:s13] =	ssyncadd.s32 $0xFFFFD800  }
0xe9: {  	[spmem:s3] =	stream.indirect.scatter.add.f32 [tilespmem:s23], [sflag:$0x5], $0x80, s0, s31, $0xb8;
	[tilespmem:$0x1E550] =	vst v63  }
0xea: {  	_ = 	snop  }
0xeb: {  	[spmem:s4] =	stream.indirect.scatter.add.f32 [tilespmem:s9], [sflag:$0xB], $0x1, s0, s31, $0xb8;
	[tilespmem:$0x1E550] =	vst v63  }
0xec: {  	_ =	swait.ge [sflag:s25], $0x2800  }
0xed: {  	[sflag:s25] =	ssyncset.done $0x0  }
0xee: {  	[sflag:s25] =	ssyncadd.s32 $0xFFFFD800  }
0xef: {  	_ =	swait.ge [sflag:s24], $0x50  }
0xf0: {  	s17 =	rddreg [dreg:$0x7];
	[sflag:s24] =	ssyncset.done $0x0  }
0xf1: {  	[sflag:s24] =	ssyncadd.s32 $0xFFFFFFB0;
	s7 =	sadd.s32 s20, s17  }
0xf2: {  	[tilespmem:s30], [sflag:$0x7] =	stream.linear.gather [hbm4b:s7+s5], $0x50, $0x38;
	[tilespmem:$0x1E550] =	vst v63  }
0xf3: {  	s17 =	sadd.s32 $0xFFFFFFB0, s6  }
0xf4: {  	[tilespmem:s22], [sflag:$0x1] =	stream.indirect.gather [hbm4b:s1+s31], $0x80, s17, s31, $0xb8;
	[tilespmem:$0x1E550] =	vst v63  }
0xf5: {  	_ =	swait.ge [sflag:s29], $0x50  }
0xf6: {  	[sflag:s29] =	ssyncset.done $0x0  }
0xf7: {  	[sflag:s29] =	ssyncadd.s32 $0xFFFFFFB0  }
0xf8: {  	_ =	swait.ge [sflag:s14], $0x2800  }
0xf9: {  	[sflag:s14] =	ssyncset.done $0x0  }
0xfa: {  	[sflag:s14] =	ssyncadd.s32 $0xFFFFD800  }
0xfb: {  	[spmem:s3] =	stream.indirect.scatter.add.f32 [tilespmem:s11], [sflag:$0x6], $0x80, s10, s31, $0xb8;
	[tilespmem:$0x1E550] =	vst v63  }
0xfc: {  	_ = 	snop  }
0xfd: {  	[spmem:s4] =	stream.indirect.scatter.add.f32 [tilespmem:s9], [sflag:$0xC], $0x1, s10, s31, $0xb8;
	[tilespmem:$0x1E550] =	vst v63  }
0xfe: {  	s21 =	sadd.s32 $0x1E, s21;
	_ =	swait.ge [sflag:s26], $0x2800  }
0xff: {  	p0 =	sne.s32 s21, $0x4CE;
	[sflag:s26] =	ssyncset.done $0x0  }
.Ltmp1:
0x100: {  	[sflag:s26] =	ssyncadd.s32 $0xFFFFD800;
	(pc) =	sbr.rel @p0 .LBB2_4-.Ltmp1, $4  }
0x101: {  	_ =	swait.ge [sflag:s16], $0x50  }
0x102: {  	s17 =	rddreg [dreg:$0x6];
	[sflag:s16] =	ssyncset.done $0x0  }
0x103: {  	s19 =	smov.u32 s6;
	[sflag:s16] =	ssyncadd.s32 $0xFFFFFFB0;
	s7 =	sadd.s32 s20, s17  }
0x104: {  	[tilespmem:s0], [sflag:$0x8] =	stream.linear.gather [hbm4b:s7+s5], $0x50, $0x38;
	[tilespmem:$0x1E550] =	vst v63  }
0x105: {  	[tilespmem:s23], [sflag:$0x2] =	stream.indirect.gather [hbm4b:s1+s31], $0x80, s19, s31, $0xb8;
	[tilespmem:$0x1E550] =	vst v63  }
0x106: {  	_ =	swait.ge [sflag:s2], $0x50  }
0x107: {  	[sflag:s2] =	ssyncset.done $0x0  }
0x108: {  	[sflag:s2] =	ssyncadd.s32 $0xFFFFFFB0  }
0x109: {  	_ =	swait.ge [sflag:s8], $0x2800  }
0x10a: {  	[sflag:s8] =	ssyncset.done $0x0  }
0x10b: {  	[sflag:s8] =	ssyncadd.s32 $0xFFFFD800  }
0x10c: {  	[spmem:s3] =	stream.indirect.scatter.add.f32 [tilespmem:s22], [sflag:$0x4], $0x80, s30, s31, $0xb8;
	[tilespmem:$0x1E550] =	vst v63  }
0x10d: {  	_ = 	snop  }
0x10e: {  	[spmem:s4] =	stream.indirect.scatter.add.f32 [tilespmem:s9], [sflag:$0xA], $0x1, s30, s31, $0xb8;
	[tilespmem:$0x1E550] =	vst v63  }
0x10f: {  	_ =	swait.ge [sflag:s12], $0x50  }
0x110: {  	[sflag:s12] =	ssyncset.done $0x0  }
0x111: {  	[sflag:s12] =	ssyncadd.s32 $0xFFFFFFB0  }
0x112: {  	_ =	swait.ge [sflag:s13], $0x2800  }
0x113: {  	[sflag:s13] =	ssyncset.done $0x0  }
0x114: {  	[sflag:s13] =	ssyncadd.s32 $0xFFFFD800  }
0x115: {  	[spmem:s3] =	stream.indirect.scatter.add.f32 [tilespmem:s23], [sflag:$0x5], $0x80, s0, s31, $0xb8;
	[tilespmem:$0x1E550] =	vst v63  }
0x116: {  	_ = 	snop  }
0x117: {  	[spmem:s4] =	stream.indirect.scatter.add.f32 [tilespmem:s9], [sflag:$0xB], $0x1, s0, s31, $0xb8;
	[tilespmem:$0x1E550] =	vst v63  }
0x118: {  	_ =	swait.ge [sflag:s28], $0x2800  }
0x119: {  	[sflag:s28] =	ssyncset.done $0x0  }
0x11a: {  	s6 =	simm.s32 $0xC;
	[sflag:s28] =	ssyncadd.s32 $0xFFFFD800  }
0x11b: {  	_ =	swait.ge [sflag:s6], $0x50  }
0x11c: {  	[sflag:s6] =	ssyncset.done $0x0  }
0x11d: {  	[sflag:s6] =	ssyncadd.s32 $0xFFFFFFB0  }
0x11e: {  	_ =	swait.ge [sflag:s25], $0x2800  }
0x11f: {  	[sflag:s25] =	ssyncset.done $0x0  }
0x120: {  	[sflag:s25] =	ssyncadd.s32 $0xFFFFD800  }
0x121: {  	_ =	swait.ge [sflag:s24], $0x50  }
0x122: {  	[sflag:s24] =	ssyncset.done $0x0  }
0x123: {  	[sflag:s24] =	ssyncadd.s32 $0xFFFFFFB0  }
0x124: {  	_ =	swait.ge [sflag:s26], $0x2800  }
0x125: {  	[sflag:s26] =	ssyncset.done $0x0  }
0x126: {  	[sflag:s26] =	ssyncadd.s32 $0xFFFFD800  }
0x127: {  	_ =	swait.ge [sflag:s16], $0x50  }
0x128: {  	[sflag:s16] =	ssyncset.done $0x0  }
0x129: {  	s20 =	stileid.u32;
	[sflag:s16] =	ssyncadd.s32 $0xFFFFFFB0  }
0x12a: {  	s6 =	sshll.u32 s20, $0x6;
	[bflag:$0x0] =	sbarrier.arrive $0xFFFF  }
0x12b: {  	s7 =	sor.u32 $0x1C04, s6;
	s20 =	rddreg [dreg:$0x11]  }
0x12c: {  	s6 =	sor.u32 $0x1C0A, s6;
	s21 =	rddreg [dreg:$0x14];
	s17 =	sshrl.u32 s20, $0x3  }
0x12d: {  	[hbm:s21], [sflag:s7] =	dma.local [spmem:s17], $0x2800  }
0x12e: {  	s17 =	smov.u32 s15;
	s15 =	sshrl.u32 s15, $0x3;
	s19 =	rddreg [dreg:$0x15]  }
0x12f: {  	[hbm:s19], [sflag:s6] =	dma.local [spmem:s15], $0x50  }
0x130: {  	_ =	swait.ge [sflag:s24], $0x50  }
0x131: {  	[sflag:s24] =	ssyncset.done $0x0  }
0x132: {  	[sflag:s24] =	ssyncadd.s32 $0xFFFFFFB0  }
0x133: {  	_ =	swait.ge [sflag:s25], $0x2800  }
0x134: {  	s18 =	sadd.s32 $0x1, s18;
	s21 =	rddreg [dreg:$0x16]  }
0x135: {  	p0 =	sne.s32 s18, s21  }
.Ltmp2:
0x136: {  	_ = 	snop;
	(pc) =	sbr.rel @p0 .LBB2_1-.Ltmp2, $3  }
0x137: {  	_ =	sdelay $0x1  }
0x138: {  	[sflag:s25] =	ssyncset.done $0x0  }
0x139: {  	[sflag:s25] =	ssyncadd.s32 $0xFFFFD800;
	s21 =	simm.s32 $0x14000  }
0x13a: {  	_ =	sfence.sel $0x180000  }
0x13b: {  	[bflag:$0x0] =	sbarrier.arrive $0xFFFF  }
0x13c: {  	_ =	strace $0x90000047  }
0x13d: {  	s0 =	stileid.u32;
	[bflag:$0x2] =	sbarrier.arrive $0xFFFF  }
0x13e: {  	p0 =	sne.s32 s0, $0x0;
	s0 =	rddreg [dreg:$0x5]  }
0x13f: {  	s0 =	sadd.s32 @!p0 $0x100000, s0  }
0x140: {  	[sflag:s0] =	ssyncadd.tile.s32 @!p0 $0x1;
	_ =	shalt  }
.Lfunc_end2:
_tile_overlayer_lowered:
.L_overlay_start_2:
0x141: {  	(tag) =	ssettag $0x2  }
0x142: {  	s0 =	rddreg [dreg:$0x0];
	s2 =	stileid.u32  }
0x143: {  	s1 =	rddreg [dreg:$0x1];
	p0 =	sne.s32 s2, $0x0  }
0x144: {  	s3 =	rddreg [dreg:$0x2];
	[bflag:$0x3] =	sbarrier.arrive $0xFFFF;
	s2 =	simm.s32 @!p0 $0x1C0D  }
0x145: {  	[timem:s3], [sflag:s2] =	dma.local @!p0 [hbm:s0], s1  }
0x146: {  	s0 =	simm.s32 @!p0 $0xD  }
0x147: {  	_ =	swait.ge @!p0 [sflag:s0], s1  }
0x148: {  	s1 =	ssub.s32 @!p0 $0x0, s1;
	[sflag:s0] =	ssyncset.done @!p0 $0x0  }
0x149: {  	[sflag:s0] =	ssyncadd.s32 @!p0 s1  }
0x14a: {  	[bflag:$0x3] =	sbarrier.arrive $0xFFFF  }
0x14b: {  	_ =	shalt  }

</sc_bundles>
